<compile_context>
chip_gen: v7x
topology: tpu7x:2x2x1
jax: 0.10.2.dev20260603
libtpu: 0.0.44.dev20260713+nightly
codegen_flags: <defaults>
</compile_context>

<pallas_src>
import jax
import jax.numpy as jnp
from jax import lax
from jax.experimental import pallas as pl
from jax.experimental.pallas import tpu as pltpu
from jax.experimental.pallas import tpu_sc as plsc

EMBED = 128
HIST = 50
BATCH = 4096
NC, NS = 2, 16
NW = NC * NS
B_TOTAL = BATCH * HIST
B_PER_W = B_TOTAL // NW
CHUNK = 80
N_CHUNKS = B_PER_W // CHUNK
NBUF = 10
ROUNDS = N_CHUNKS // NBUF


def _body(idx_hbm, table_hbm, out_hbm, idx_v, rows_v, gsem, ssem):
    wid = lax.axis_index("s") * NC + lax.axis_index("c")
    out_base = wid * B_PER_W
    pltpu.sync_copy(idx_hbm.at[wid], idx_v)

    for b in range(NBUF):
        pltpu.async_copy(table_hbm.at[idx_v.at[b]], rows_v.at[b], gsem[b])
    for b in range(NBUF):
        pltpu.make_async_copy(table_hbm.at[idx_v.at[b]], rows_v.at[b], gsem[b]).wait()
        pltpu.async_copy(
            rows_v.at[b], out_hbm.at[pl.ds(out_base + b * CHUNK, CHUNK)], ssem[b]
        )

    @pl.loop(1, ROUNDS)
    def _round(r):
        j0 = r * NBUF
        for b in range(NBUF):
            j = j0 + b
            pltpu.make_async_copy(
                rows_v.at[b], out_hbm.at[pl.ds(out_base + (j - NBUF) * CHUNK, CHUNK)],
                ssem[b],
            ).wait()
            pltpu.async_copy(table_hbm.at[idx_v.at[j]], rows_v.at[b], gsem[b])
        for b in range(NBUF):
            j = j0 + b
            pltpu.make_async_copy(table_hbm.at[idx_v.at[j]], rows_v.at[b], gsem[b]).wait()
            pltpu.async_copy(
                rows_v.at[b], out_hbm.at[pl.ds(out_base + j * CHUNK, CHUNK)], ssem[b]
            )

    for b in range(NBUF):
        j = (ROUNDS - 1) * NBUF + b
        pltpu.make_async_copy(
            rows_v.at[b], out_hbm.at[pl.ds(out_base + j * CHUNK, CHUNK)], ssem[b]
        ).wait()


def kernel(input, table):
    idx = input.T.reshape(NW, N_CHUNKS, CHUNK).astype(jnp.int32)
    mesh = plsc.VectorSubcoreMesh(
        core_axis_name="c", subcore_axis_name="s", num_cores=NC, num_subcores=NS
    )
    flat = pl.kernel(
        _body,
        out_type=jax.ShapeDtypeStruct((B_TOTAL, EMBED), jnp.float32),
        mesh=mesh,
        scratch_types=[
            pltpu.VMEM((N_CHUNKS, CHUNK), jnp.int32),
            pltpu.VMEM((NBUF, CHUNK, EMBED), jnp.float32),
            [pltpu.SemaphoreType.DMA] * NBUF,
            [pltpu.SemaphoreType.DMA] * NBUF,
        ],
    )(idx, table)
    return flat.reshape(HIST, BATCH, EMBED).transpose(1, 0, 2)

# --- scband reference (transcript-rebuilt; emitter-appended) ---
"""Pipeline reference for scband-embedding-layer-46909632807224 (READ-ONLY COPY).

The authoritative reference and input builder live on the scoring server;
editing this copy changes nothing except your own understanding.
"""

import jax, jax.numpy as jnp
import numpy as np

VOCAB = 100000
EMBED_DIM = 128
BATCH = 4096
HIST_LEN = 50
DROPOUT_RATE = 0.0  # dropout is identity at rate 0 (and in eval mode)


def setup_inputs(seed: int = 0) -> dict:
    key = jax.random.key(seed)
    k_idx, k_tab = jax.random.split(key)
    indices = jax.random.randint(k_idx, (BATCH, HIST_LEN), 0, VOCAB, dtype=jnp.int64 if jax.config.read('jax_enable_x64') else jnp.int32)
    # pretrained word vectors (frozen embedding table, freeze=False in torch but still a param)
    table = jax.random.normal(k_tab, (VOCAB, EMBED_DIM), dtype=jnp.float32)
    return {"input": indices, "table": table}


def reference(input, table):
    # nn.Embedding.from_pretrained(...)(input) -> gather rows
    embedded_words = jnp.take(table, input, axis=0)
    # nn.Dropout(0.0) is identity; keep explicit scaling form for faithfulness
    keep = 1.0 - DROPOUT_RATE
    final_embeddings = embedded_words * (1.0 if keep == 1.0 else 1.0)
    return final_embeddings


if False:  # reference __main__ guard neutralized (emitter)
    inp = setup_inputs()
    out = reference(**inp)
    print(out.shape, out.dtype)

if __name__ == "__main__":
    import jax
    _d = setup_inputs()
    print(jax.jit(kernel)(*tuple(_d.values())))

</pallas_src>

<mosaic_0001>
#map = affine_map<(d0, d1) -> (0, 0, 0)>
#map1 = affine_map<(d0, d1) -> (0, 0)>
module attributes {stable_mosaic.version = 14 : i64} {
  func.func @_body(%arg0: i32, %arg1: i32, %arg2: memref<32x80x80xi32, #tpu.memory_space<hbm>>, %arg3: memref<100000x128xf32, #tpu.memory_space<hbm>>, %arg4: memref<204800x128xf32, #tpu.memory_space<hbm>>, %arg5: memref<80x80xi32, #tpu.memory_space<vmem>>, %arg6: memref<10x80x128xf32, #tpu.memory_space<vmem>>, %arg7: memref<!tpu.dma_semaphore, #tpu.memory_space<semaphore_mem>>, %arg8: memref<!tpu.dma_semaphore, #tpu.memory_space<semaphore_mem>>, %arg9: memref<!tpu.dma_semaphore, #tpu.memory_space<semaphore_mem>>, %arg10: memref<!tpu.dma_semaphore, #tpu.memory_space<semaphore_mem>>, %arg11: memref<!tpu.dma_semaphore, #tpu.memory_space<semaphore_mem>>, %arg12: memref<!tpu.dma_semaphore, #tpu.memory_space<semaphore_mem>>, %arg13: memref<!tpu.dma_semaphore, #tpu.memory_space<semaphore_mem>>, %arg14: memref<!tpu.dma_semaphore, #tpu.memory_space<semaphore_mem>>, %arg15: memref<!tpu.dma_semaphore, #tpu.memory_space<semaphore_mem>>, %arg16: memref<!tpu.dma_semaphore, #tpu.memory_space<semaphore_mem>>, %arg17: memref<!tpu.dma_semaphore, #tpu.memory_space<semaphore_mem>>, %arg18: memref<!tpu.dma_semaphore, #tpu.memory_space<semaphore_mem>>, %arg19: memref<!tpu.dma_semaphore, #tpu.memory_space<semaphore_mem>>, %arg20: memref<!tpu.dma_semaphore, #tpu.memory_space<semaphore_mem>>, %arg21: memref<!tpu.dma_semaphore, #tpu.memory_space<semaphore_mem>>, %arg22: memref<!tpu.dma_semaphore, #tpu.memory_space<semaphore_mem>>, %arg23: memref<!tpu.dma_semaphore, #tpu.memory_space<semaphore_mem>>, %arg24: memref<!tpu.dma_semaphore, #tpu.memory_space<semaphore_mem>>, %arg25: memref<!tpu.dma_semaphore, #tpu.memory_space<semaphore_mem>>, %arg26: memref<!tpu.dma_semaphore, #tpu.memory_space<semaphore_mem>>) attributes {dimension_semantics = [#tpu.dimension_semantics<core_parallel>, #tpu.dimension_semantics<subcore_parallel>], iteration_bounds = array<i64: 2, 16>, scalar_prefetch = 0 : i64, scratch_operands = 22 : i64, tpu.core_type = #tpu.core_type<sc_vector_subcore>, window_params = [{transform_indices = #map}, {transform_indices = #map1}, {transform_indices = #map1}]} {
    %mul3A = arith.constant 2 : i32
    %mul3A_0 = arith.muli %arg1, %mul3A : i32
    %add3A = arith.addi %mul3A_0, %arg0 : i32
    %mul3A_1 = arith.constant 6400 : i32
    %mul3A_2 = arith.muli %add3A, %mul3A_1 : i32
    "tpu.region"() ({
      %run_scoped3A = tpu.sem_alloc : memref<!tpu.dma_semaphore, #tpu.memory_space<semaphore_mem>>
      %dma_start3A_545 = arith.constant 0 : i32
      %dma_start3A_546 = arith.constant 0 : i32
      %dma_start3A_547 = tpu.memref_slice %arg2[%add3A, %dma_start3A_545, %dma_start3A_546] : memref<32x80x80xi32, #tpu.memory_space<hbm>> -> memref<1x80x80xi32, #tpu.memory_space<hbm>>
      %dma_start3A_548 = tpu.memref_squeeze %dma_start3A_547 : memref<1x80x80xi32, #tpu.memory_space<hbm>> -> memref<80x80xi32, #tpu.memory_space<hbm>>
      %dma_start3A_549 = arith.constant 0 : i32
      %dma_start3A_550 = arith.constant 0 : i32
      %dma_start3A_551 = tpu.memref_slice %arg2[%add3A, %dma_start3A_549, %dma_start3A_550] : memref<32x80x80xi32, #tpu.memory_space<hbm>> -> memref<1x80x80xi32, #tpu.memory_space<hbm>>
      %dma_start3A_552 = tpu.memref_squeeze %dma_start3A_551 : memref<1x80x80xi32, #tpu.memory_space<hbm>> -> memref<80x80xi32, #tpu.memory_space<hbm>>
      tpu.enqueue_dma source(%dma_start3A_552 : memref<80x80xi32, #tpu.memory_space<hbm>>) target(%arg5 : memref<80x80xi32, #tpu.memory_space<vmem>>) target_semaphore(%run_scoped3A : memref<!tpu.dma_semaphore, #tpu.memory_space<semaphore_mem>>)
      %dma_wait3A_553 = arith.constant 0 : i32
      %dma_wait3A_554 = arith.constant 0 : i32
      %dma_wait3A_555 = tpu.memref_slice %arg2[%add3A, %dma_wait3A_553, %dma_wait3A_554] : memref<32x80x80xi32, #tpu.memory_space<hbm>> -> memref<1x80x80xi32, #tpu.memory_space<hbm>>
      %dma_wait3A_556 = tpu.memref_squeeze %dma_wait3A_555 : memref<1x80x80xi32, #tpu.memory_space<hbm>> -> memref<80x80xi32, #tpu.memory_space<hbm>>
      %dma_wait3A_557 = arith.constant 0 : i32
      %dma_wait3A_558 = arith.constant 0 : i32
      %dma_wait3A_559 = tpu.memref_slice %arg2[%add3A, %dma_wait3A_557, %dma_wait3A_558] : memref<32x80x80xi32, #tpu.memory_space<hbm>> -> memref<1x80x80xi32, #tpu.memory_space<hbm>>
      %dma_wait3A_560 = tpu.memref_squeeze %dma_wait3A_559 : memref<1x80x80xi32, #tpu.memory_space<hbm>> -> memref<80x80xi32, #tpu.memory_space<hbm>>
      tpu.wait_dma2 semaphore(%run_scoped3A : memref<!tpu.dma_semaphore, #tpu.memory_space<semaphore_mem>>) src(%dma_wait3A_560 : memref<80x80xi32, #tpu.memory_space<hbm>>) dst(%arg5 : memref<80x80xi32, #tpu.memory_space<vmem>>)
      tpu.yield
    }) : () -> ()
    %dma_start3A = arith.constant 0 : i32
    %dma_start3A_3 = arith.constant 0 : i32
    %dma_start3A_4 = arith.constant 0 : i32
    %dma_start3A_5 = arith.constant 0 : i32
    %dma_start3A_6 = tpu.memref_slice %arg6[%dma_start3A_3, %dma_start3A_4, %dma_start3A_5] : memref<10x80x128xf32, #tpu.memory_space<vmem>> -> memref<1x80x128xf32, #tpu.memory_space<vmem>>
    %dma_start3A_7 = tpu.memref_squeeze %dma_start3A_6 : memref<1x80x128xf32, #tpu.memory_space<vmem>> -> memref<80x128xf32, #tpu.memory_space<vmem>>
    %dma_start3A_8 = arith.constant 0 : i32
    %dma_start3A_9 = tpu.memref_slice %arg5[%dma_start3A, %dma_start3A_8] : memref<80x80xi32, #tpu.memory_space<vmem>> -> memref<1x80xi32, #tpu.memory_space<vmem>>
    %dma_start3A_10 = tpu.memref_squeeze %dma_start3A_9 : memref<1x80xi32, #tpu.memory_space<vmem>> -> memref<80xi32, #tpu.memory_space<vmem>>
    %dma_start3A_11 = arith.constant 0 : i32
    %dma_start3A_12 = arith.constant 0 : i32
    %dma_start3A_13 = tpu.memref_slice %arg3[%dma_start3A_11, %dma_start3A_12] : memref<100000x128xf32, #tpu.memory_space<hbm>> -> memref<100000x128xf32, #tpu.memory_space<hbm>>
    tpu.enqueue_indirect_dma source(%dma_start3A_13 : memref<100000x128xf32, #tpu.memory_space<hbm>>) target(%dma_start3A_7 : memref<80x128xf32, #tpu.memory_space<vmem>>) offsets(%dma_start3A_10 : memref<80xi32, #tpu.memory_space<vmem>>) semaphore(%arg7 : memref<!tpu.dma_semaphore, #tpu.memory_space<semaphore_mem>>)
    %dma_start3A_14 = arith.constant 1 : i32
    %dma_start3A_15 = arith.constant 1 : i32
    %dma_start3A_16 = arith.constant 0 : i32
    %dma_start3A_17 = arith.constant 0 : i32
    %dma_start3A_18 = tpu.memref_slice %arg6[%dma_start3A_15, %dma_start3A_16, %dma_start3A_17] : memref<10x80x128xf32, #tpu.memory_space<vmem>> -> memref<1x80x128xf32, #tpu.memory_space<vmem>>
    %dma_start3A_19 = tpu.memref_squeeze %dma_start3A_18 : memref<1x80x128xf32, #tpu.memory_space<vmem>> -> memref<80x128xf32, #tpu.memory_space<vmem>>
    %dma_start3A_20 = arith.constant 0 : i32
    %dma_start3A_21 = tpu.memref_slice %arg5[%dma_start3A_14, %dma_start3A_20] : memref<80x80xi32, #tpu.memory_space<vmem>> -> memref<1x80xi32, #tpu.memory_space<vmem>>
    %dma_start3A_22 = tpu.memref_squeeze %dma_start3A_21 : memref<1x80xi32, #tpu.memory_space<vmem>> -> memref<80xi32, #tpu.memory_space<vmem>>
    %dma_start3A_23 = arith.constant 0 : i32
    %dma_start3A_24 = arith.constant 0 : i32
    %dma_start3A_25 = tpu.memref_slice %arg3[%dma_start3A_23, %dma_start3A_24] : memref<100000x128xf32, #tpu.memory_space<hbm>> -> memref<100000x128xf32, #tpu.memory_space<hbm>>
    tpu.enqueue_indirect_dma source(%dma_start3A_25 : memref<100000x128xf32, #tpu.memory_space<hbm>>) target(%dma_start3A_19 : memref<80x128xf32, #tpu.memory_space<vmem>>) offsets(%dma_start3A_22 : memref<80xi32, #tpu.memory_space<vmem>>) semaphore(%arg8 : memref<!tpu.dma_semaphore, #tpu.memory_space<semaphore_mem>>)
    %dma_start3A_26 = arith.constant 2 : i32
    %dma_start3A_27 = arith.constant 2 : i32
    %dma_start3A_28 = arith.constant 0 : i32
    %dma_start3A_29 = arith.constant 0 : i32
    %dma_start3A_30 = tpu.memref_slice %arg6[%dma_start3A_27, %dma_start3A_28, %dma_start3A_29] : memref<10x80x128xf32, #tpu.memory_space<vmem>> -> memref<1x80x128xf32, #tpu.memory_space<vmem>>
    %dma_start3A_31 = tpu.memref_squeeze %dma_start3A_30 : memref<1x80x128xf32, #tpu.memory_space<vmem>> -> memref<80x128xf32, #tpu.memory_space<vmem>>
    %dma_start3A_32 = arith.constant 0 : i32
    %dma_start3A_33 = tpu.memref_slice %arg5[%dma_start3A_26, %dma_start3A_32] : memref<80x80xi32, #tpu.memory_space<vmem>> -> memref<1x80xi32, #tpu.memory_space<vmem>>
    %dma_start3A_34 = tpu.memref_squeeze %dma_start3A_33 : memref<1x80xi32, #tpu.memory_space<vmem>> -> memref<80xi32, #tpu.memory_space<vmem>>
    %dma_start3A_35 = arith.constant 0 : i32
    %dma_start3A_36 = arith.constant 0 : i32
    %dma_start3A_37 = tpu.memref_slice %arg3[%dma_start3A_35, %dma_start3A_36] : memref<100000x128xf32, #tpu.memory_space<hbm>> -> memref<100000x128xf32, #tpu.memory_space<hbm>>
    tpu.enqueue_indirect_dma source(%dma_start3A_37 : memref<100000x128xf32, #tpu.memory_space<hbm>>) target(%dma_start3A_31 : memref<80x128xf32, #tpu.memory_space<vmem>>) offsets(%dma_start3A_34 : memref<80xi32, #tpu.memory_space<vmem>>) semaphore(%arg9 : memref<!tpu.dma_semaphore, #tpu.memory_space<semaphore_mem>>)
    %dma_start3A_38 = arith.constant 3 : i32
    %dma_start3A_39 = arith.constant 3 : i32
    %dma_start3A_40 = arith.constant 0 : i32
    %dma_start3A_41 = arith.constant 0 : i32
    %dma_start3A_42 = tpu.memref_slice %arg6[%dma_start3A_39, %dma_start3A_40, %dma_start3A_41] : memref<10x80x128xf32, #tpu.memory_space<vmem>> -> memref<1x80x128xf32, #tpu.memory_space<vmem>>
    %dma_start3A_43 = tpu.memref_squeeze %dma_start3A_42 : memref<1x80x128xf32, #tpu.memory_space<vmem>> -> memref<80x128xf32, #tpu.memory_space<vmem>>
    %dma_start3A_44 = arith.constant 0 : i32
    %dma_start3A_45 = tpu.memref_slice %arg5[%dma_start3A_38, %dma_start3A_44] : memref<80x80xi32, #tpu.memory_space<vmem>> -> memref<1x80xi32, #tpu.memory_space<vmem>>
    %dma_start3A_46 = tpu.memref_squeeze %dma_start3A_45 : memref<1x80xi32, #tpu.memory_space<vmem>> -> memref<80xi32, #tpu.memory_space<vmem>>
    %dma_start3A_47 = arith.constant 0 : i32
    %dma_start3A_48 = arith.constant 0 : i32
    %dma_start3A_49 = tpu.memref_slice %arg3[%dma_start3A_47, %dma_start3A_48] : memref<100000x128xf32, #tpu.memory_space<hbm>> -> memref<100000x128xf32, #tpu.memory_space<hbm>>
    tpu.enqueue_indirect_dma source(%dma_start3A_49 : memref<100000x128xf32, #tpu.memory_space<hbm>>) target(%dma_start3A_43 : memref<80x128xf32, #tpu.memory_space<vmem>>) offsets(%dma_start3A_46 : memref<80xi32, #tpu.memory_space<vmem>>) semaphore(%arg10 : memref<!tpu.dma_semaphore, #tpu.memory_space<semaphore_mem>>)
    %dma_start3A_50 = arith.constant 4 : i32
    %dma_start3A_51 = arith.constant 4 : i32
    %dma_start3A_52 = arith.constant 0 : i32
    %dma_start3A_53 = arith.constant 0 : i32
    %dma_start3A_54 = tpu.memref_slice %arg6[%dma_start3A_51, %dma_start3A_52, %dma_start3A_53] : memref<10x80x128xf32, #tpu.memory_space<vmem>> -> memref<1x80x128xf32, #tpu.memory_space<vmem>>
    %dma_start3A_55 = tpu.memref_squeeze %dma_start3A_54 : memref<1x80x128xf32, #tpu.memory_space<vmem>> -> memref<80x128xf32, #tpu.memory_space<vmem>>
    %dma_start3A_56 = arith.constant 0 : i32
    %dma_start3A_57 = tpu.memref_slice %arg5[%dma_start3A_50, %dma_start3A_56] : memref<80x80xi32, #tpu.memory_space<vmem>> -> memref<1x80xi32, #tpu.memory_space<vmem>>
    %dma_start3A_58 = tpu.memref_squeeze %dma_start3A_57 : memref<1x80xi32, #tpu.memory_space<vmem>> -> memref<80xi32, #tpu.memory_space<vmem>>
    %dma_start3A_59 = arith.constant 0 : i32
    %dma_start3A_60 = arith.constant 0 : i32
    %dma_start3A_61 = tpu.memref_slice %arg3[%dma_start3A_59, %dma_start3A_60] : memref<100000x128xf32, #tpu.memory_space<hbm>> -> memref<100000x128xf32, #tpu.memory_space<hbm>>
    tpu.enqueue_indirect_dma source(%dma_start3A_61 : memref<100000x128xf32, #tpu.memory_space<hbm>>) target(%dma_start3A_55 : memref<80x128xf32, #tpu.memory_space<vmem>>) offsets(%dma_start3A_58 : memref<80xi32, #tpu.memory_space<vmem>>) semaphore(%arg11 : memref<!tpu.dma_semaphore, #tpu.memory_space<semaphore_mem>>)
    %dma_start3A_62 = arith.constant 5 : i32
    %dma_start3A_63 = arith.constant 5 : i32
    %dma_start3A_64 = arith.constant 0 : i32
    %dma_start3A_65 = arith.constant 0 : i32
    %dma_start3A_66 = tpu.memref_slice %arg6[%dma_start3A_63, %dma_start3A_64, %dma_start3A_65] : memref<10x80x128xf32, #tpu.memory_space<vmem>> -> memref<1x80x128xf32, #tpu.memory_space<vmem>>
    %dma_start3A_67 = tpu.memref_squeeze %dma_start3A_66 : memref<1x80x128xf32, #tpu.memory_space<vmem>> -> memref<80x128xf32, #tpu.memory_space<vmem>>
    %dma_start3A_68 = arith.constant 0 : i32
    %dma_start3A_69 = tpu.memref_slice %arg5[%dma_start3A_62, %dma_start3A_68] : memref<80x80xi32, #tpu.memory_space<vmem>> -> memref<1x80xi32, #tpu.memory_space<vmem>>
    %dma_start3A_70 = tpu.memref_squeeze %dma_start3A_69 : memref<1x80xi32, #tpu.memory_space<vmem>> -> memref<80xi32, #tpu.memory_space<vmem>>
    %dma_start3A_71 = arith.constant 0 : i32
    %dma_start3A_72 = arith.constant 0 : i32
    %dma_start3A_73 = tpu.memref_slice %arg3[%dma_start3A_71, %dma_start3A_72] : memref<100000x128xf32, #tpu.memory_space<hbm>> -> memref<100000x128xf32, #tpu.memory_space<hbm>>
    tpu.enqueue_indirect_dma source(%dma_start3A_73 : memref<100000x128xf32, #tpu.memory_space<hbm>>) target(%dma_start3A_67 : memref<80x128xf32, #tpu.memory_space<vmem>>) offsets(%dma_start3A_70 : memref<80xi32, #tpu.memory_space<vmem>>) semaphore(%arg12 : memref<!tpu.dma_semaphore, #tpu.memory_space<semaphore_mem>>)
    %dma_start3A_74 = arith.constant 6 : i32
    %dma_start3A_75 = arith.constant 6 : i32
    %dma_start3A_76 = arith.constant 0 : i32
    %dma_start3A_77 = arith.constant 0 : i32
    %dma_start3A_78 = tpu.memref_slice %arg6[%dma_start3A_75, %dma_start3A_76, %dma_start3A_77] : memref<10x80x128xf32, #tpu.memory_space<vmem>> -> memref<1x80x128xf32, #tpu.memory_space<vmem>>
    %dma_start3A_79 = tpu.memref_squeeze %dma_start3A_78 : memref<1x80x128xf32, #tpu.memory_space<vmem>> -> memref<80x128xf32, #tpu.memory_space<vmem>>
    %dma_start3A_80 = arith.constant 0 : i32
    %dma_start3A_81 = tpu.memref_slice %arg5[%dma_start3A_74, %dma_start3A_80] : memref<80x80xi32, #tpu.memory_space<vmem>> -> memref<1x80xi32, #tpu.memory_space<vmem>>
    %dma_start3A_82 = tpu.memref_squeeze %dma_start3A_81 : memref<1x80xi32, #tpu.memory_space<vmem>> -> memref<80xi32, #tpu.memory_space<vmem>>
    %dma_start3A_83 = arith.constant 0 : i32
    %dma_start3A_84 = arith.constant 0 : i32
    %dma_start3A_85 = tpu.memref_slice %arg3[%dma_start3A_83, %dma_start3A_84] : memref<100000x128xf32, #tpu.memory_space<hbm>> -> memref<100000x128xf32, #tpu.memory_space<hbm>>
    tpu.enqueue_indirect_dma source(%dma_start3A_85 : memref<100000x128xf32, #tpu.memory_space<hbm>>) target(%dma_start3A_79 : memref<80x128xf32, #tpu.memory_space<vmem>>) offsets(%dma_start3A_82 : memref<80xi32, #tpu.memory_space<vmem>>) semaphore(%arg13 : memref<!tpu.dma_semaphore, #tpu.memory_space<semaphore_mem>>)
    %dma_start3A_86 = arith.constant 7 : i32
    %dma_start3A_87 = arith.constant 7 : i32
    %dma_start3A_88 = arith.constant 0 : i32
    %dma_start3A_89 = arith.constant 0 : i32
    %dma_start3A_90 = tpu.memref_slice %arg6[%dma_start3A_87, %dma_start3A_88, %dma_start3A_89] : memref<10x80x128xf32, #tpu.memory_space<vmem>> -> memref<1x80x128xf32, #tpu.memory_space<vmem>>
    %dma_start3A_91 = tpu.memref_squeeze %dma_start3A_90 : memref<1x80x128xf32, #tpu.memory_space<vmem>> -> memref<80x128xf32, #tpu.memory_space<vmem>>
    %dma_start3A_92 = arith.constant 0 : i32
    %dma_start3A_93 = tpu.memref_slice %arg5[%dma_start3A_86, %dma_start3A_92] : memref<80x80xi32, #tpu.memory_space<vmem>> -> memref<1x80xi32, #tpu.memory_space<vmem>>
    %dma_start3A_94 = tpu.memref_squeeze %dma_start3A_93 : memref<1x80xi32, #tpu.memory_space<vmem>> -> memref<80xi32, #tpu.memory_space<vmem>>
    %dma_start3A_95 = arith.constant 0 : i32
    %dma_start3A_96 = arith.constant 0 : i32
    %dma_start3A_97 = tpu.memref_slice %arg3[%dma_start3A_95, %dma_start3A_96] : memref<100000x128xf32, #tpu.memory_space<hbm>> -> memref<100000x128xf32, #tpu.memory_space<hbm>>
    tpu.enqueue_indirect_dma source(%dma_start3A_97 : memref<100000x128xf32, #tpu.memory_space<hbm>>) target(%dma_start3A_91 : memref<80x128xf32, #tpu.memory_space<vmem>>) offsets(%dma_start3A_94 : memref<80xi32, #tpu.memory_space<vmem>>) semaphore(%arg14 : memref<!tpu.dma_semaphore, #tpu.memory_space<semaphore_mem>>)
    %dma_start3A_98 = arith.constant 8 : i32
    %dma_start3A_99 = arith.constant 8 : i32
    %dma_start3A_100 = arith.constant 0 : i32
    %dma_start3A_101 = arith.constant 0 : i32
    %dma_start3A_102 = tpu.memref_slice %arg6[%dma_start3A_99, %dma_start3A_100, %dma_start3A_101] : memref<10x80x128xf32, #tpu.memory_space<vmem>> -> memref<1x80x128xf32, #tpu.memory_space<vmem>>
    %dma_start3A_103 = tpu.memref_squeeze %dma_start3A_102 : memref<1x80x128xf32, #tpu.memory_space<vmem>> -> memref<80x128xf32, #tpu.memory_space<vmem>>
    %dma_start3A_104 = arith.constant 0 : i32
    %dma_start3A_105 = tpu.memref_slice %arg5[%dma_start3A_98, %dma_start3A_104] : memref<80x80xi32, #tpu.memory_space<vmem>> -> memref<1x80xi32, #tpu.memory_space<vmem>>
    %dma_start3A_106 = tpu.memref_squeeze %dma_start3A_105 : memref<1x80xi32, #tpu.memory_space<vmem>> -> memref<80xi32, #tpu.memory_space<vmem>>
    %dma_start3A_107 = arith.constant 0 : i32
    %dma_start3A_108 = arith.constant 0 : i32
    %dma_start3A_109 = tpu.memref_slice %arg3[%dma_start3A_107, %dma_start3A_108] : memref<100000x128xf32, #tpu.memory_space<hbm>> -> memref<100000x128xf32, #tpu.memory_space<hbm>>
    tpu.enqueue_indirect_dma source(%dma_start3A_109 : memref<100000x128xf32, #tpu.memory_space<hbm>>) target(%dma_start3A_103 : memref<80x128xf32, #tpu.memory_space<vmem>>) offsets(%dma_start3A_106 : memref<80xi32, #tpu.memory_space<vmem>>) semaphore(%arg15 : memref<!tpu.dma_semaphore, #tpu.memory_space<semaphore_mem>>)
    %dma_start3A_110 = arith.constant 9 : i32
    %dma_start3A_111 = arith.constant 9 : i32
    %dma_start3A_112 = arith.constant 0 : i32
    %dma_start3A_113 = arith.constant 0 : i32
    %dma_start3A_114 = tpu.memref_slice %arg6[%dma_start3A_111, %dma_start3A_112, %dma_start3A_113] : memref<10x80x128xf32, #tpu.memory_space<vmem>> -> memref<1x80x128xf32, #tpu.memory_space<vmem>>
    %dma_start3A_115 = tpu.memref_squeeze %dma_start3A_114 : memref<1x80x128xf32, #tpu.memory_space<vmem>> -> memref<80x128xf32, #tpu.memory_space<vmem>>
    %dma_start3A_116 = arith.constant 0 : i32
    %dma_start3A_117 = tpu.memref_slice %arg5[%dma_start3A_110, %dma_start3A_116] : memref<80x80xi32, #tpu.memory_space<vmem>> -> memref<1x80xi32, #tpu.memory_space<vmem>>
    %dma_start3A_118 = tpu.memref_squeeze %dma_start3A_117 : memref<1x80xi32, #tpu.memory_space<vmem>> -> memref<80xi32, #tpu.memory_space<vmem>>
    %dma_start3A_119 = arith.constant 0 : i32
    %dma_start3A_120 = arith.constant 0 : i32
    %dma_start3A_121 = tpu.memref_slice %arg3[%dma_start3A_119, %dma_start3A_120] : memref<100000x128xf32, #tpu.memory_space<hbm>> -> memref<100000x128xf32, #tpu.memory_space<hbm>>
    tpu.enqueue_indirect_dma source(%dma_start3A_121 : memref<100000x128xf32, #tpu.memory_space<hbm>>) target(%dma_start3A_115 : memref<80x128xf32, #tpu.memory_space<vmem>>) offsets(%dma_start3A_118 : memref<80xi32, #tpu.memory_space<vmem>>) semaphore(%arg16 : memref<!tpu.dma_semaphore, #tpu.memory_space<semaphore_mem>>)
    %dma_wait3A = arith.constant 0 : i32
    %dma_wait3A_122 = arith.constant 0 : i32
    %dma_wait3A_123 = arith.constant 0 : i32
    %dma_wait3A_124 = arith.constant 0 : i32
    %dma_wait3A_125 = tpu.memref_slice %arg6[%dma_wait3A_122, %dma_wait3A_123, %dma_wait3A_124] : memref<10x80x128xf32, #tpu.memory_space<vmem>> -> memref<1x80x128xf32, #tpu.memory_space<vmem>>
    %dma_wait3A_126 = tpu.memref_squeeze %dma_wait3A_125 : memref<1x80x128xf32, #tpu.memory_space<vmem>> -> memref<80x128xf32, #tpu.memory_space<vmem>>
    %dma_wait3A_127 = arith.constant 0 : i32
    %dma_wait3A_128 = tpu.memref_slice %arg5[%dma_wait3A, %dma_wait3A_127] : memref<80x80xi32, #tpu.memory_space<vmem>> -> memref<1x80xi32, #tpu.memory_space<vmem>>
    %dma_wait3A_129 = tpu.memref_squeeze %dma_wait3A_128 : memref<1x80xi32, #tpu.memory_space<vmem>> -> memref<80xi32, #tpu.memory_space<vmem>>
    %dma_wait3A_130 = arith.constant 0 : i32
    %dma_wait3A_131 = arith.constant 0 : i32
    %dma_wait3A_132 = tpu.memref_slice %arg3[%dma_wait3A_130, %dma_wait3A_131] : memref<100000x128xf32, #tpu.memory_space<hbm>> -> memref<100000x128xf32, #tpu.memory_space<hbm>>
    tpu.wait_indirect_dma semaphore(%arg7 : memref<!tpu.dma_semaphore, #tpu.memory_space<semaphore_mem>>) src(%dma_wait3A_132 : memref<100000x128xf32, #tpu.memory_space<hbm>>) dst(%dma_wait3A_126 : memref<80x128xf32, #tpu.memory_space<vmem>>)
    %add3A_133 = arith.constant 0 : i32
    %add3A_134 = arith.addi %mul3A_2, %add3A_133 : i32
    %dma_start3A_135 = arith.constant 0 : i32
    %dma_start3A_136 = arith.constant 0 : i32
    %dma_start3A_137 = arith.constant 0 : i32
    %dma_start3A_138 = tpu.memref_slice %arg6[%dma_start3A_135, %dma_start3A_136, %dma_start3A_137] : memref<10x80x128xf32, #tpu.memory_space<vmem>> -> memref<1x80x128xf32, #tpu.memory_space<vmem>>
    %dma_start3A_139 = tpu.memref_squeeze %dma_start3A_138 : memref<1x80x128xf32, #tpu.memory_space<vmem>> -> memref<80x128xf32, #tpu.memory_space<vmem>>
    %dma_start3A_140 = arith.constant 0 : i32
    %dma_start3A_141 = tpu.memref_slice %arg4[%add3A_134, %dma_start3A_140] : memref<204800x128xf32, #tpu.memory_space<hbm>> -> memref<80x128xf32, #tpu.memory_space<hbm>>
    %dma_start3A_142 = arith.constant 0 : i32
    %dma_start3A_143 = tpu.memref_slice %arg4[%add3A_134, %dma_start3A_142] : memref<204800x128xf32, #tpu.memory_space<hbm>> -> memref<80x128xf32, #tpu.memory_space<hbm>>
    %dma_start3A_144 = arith.constant 0 : i32
    %dma_start3A_145 = arith.constant 0 : i32
    %dma_start3A_146 = tpu.memref_slice %arg6[%dma_start3A_135, %dma_start3A_144, %dma_start3A_145] : memref<10x80x128xf32, #tpu.memory_space<vmem>> -> memref<1x80x128xf32, #tpu.memory_space<vmem>>
    %dma_start3A_147 = tpu.memref_squeeze %dma_start3A_146 : memref<1x80x128xf32, #tpu.memory_space<vmem>> -> memref<80x128xf32, #tpu.memory_space<vmem>>
    tpu.enqueue_dma source(%dma_start3A_147 : memref<80x128xf32, #tpu.memory_space<vmem>>) target(%dma_start3A_143 : memref<80x128xf32, #tpu.memory_space<hbm>>) target_semaphore(%arg17 : memref<!tpu.dma_semaphore, #tpu.memory_space<semaphore_mem>>)
    %dma_wait3A_148 = arith.constant 1 : i32
    %dma_wait3A_149 = arith.constant 1 : i32
    %dma_wait3A_150 = arith.constant 0 : i32
    %dma_wait3A_151 = arith.constant 0 : i32
    %dma_wait3A_152 = tpu.memref_slice %arg6[%dma_wait3A_149, %dma_wait3A_150, %dma_wait3A_151] : memref<10x80x128xf32, #tpu.memory_space<vmem>> -> memref<1x80x128xf32, #tpu.memory_space<vmem>>
    %dma_wait3A_153 = tpu.memref_squeeze %dma_wait3A_152 : memref<1x80x128xf32, #tpu.memory_space<vmem>> -> memref<80x128xf32, #tpu.memory_space<vmem>>
    %dma_wait3A_154 = arith.constant 0 : i32
    %dma_wait3A_155 = tpu.memref_slice %arg5[%dma_wait3A_148, %dma_wait3A_154] : memref<80x80xi32, #tpu.memory_space<vmem>> -> memref<1x80xi32, #tpu.memory_space<vmem>>
    %dma_wait3A_156 = tpu.memref_squeeze %dma_wait3A_155 : memref<1x80xi32, #tpu.memory_space<vmem>> -> memref<80xi32, #tpu.memory_space<vmem>>
    %dma_wait3A_157 = arith.constant 0 : i32
    %dma_wait3A_158 = arith.constant 0 : i32
    %dma_wait3A_159 = tpu.memref_slice %arg3[%dma_wait3A_157, %dma_wait3A_158] : memref<100000x128xf32, #tpu.memory_space<hbm>> -> memref<100000x128xf32, #tpu.memory_space<hbm>>
    tpu.wait_indirect_dma semaphore(%arg8 : memref<!tpu.dma_semaphore, #tpu.memory_space<semaphore_mem>>) src(%dma_wait3A_159 : memref<100000x128xf32, #tpu.memory_space<hbm>>) dst(%dma_wait3A_153 : memref<80x128xf32, #tpu.memory_space<vmem>>)
    %add3A_160 = arith.constant 80 : i32
    %add3A_161 = arith.addi %mul3A_2, %add3A_160 : i32
    %dma_start3A_162 = arith.constant 1 : i32
    %dma_start3A_163 = arith.constant 0 : i32
    %dma_start3A_164 = arith.constant 0 : i32
    %dma_start3A_165 = tpu.memref_slice %arg6[%dma_start3A_162, %dma_start3A_163, %dma_start3A_164] : memref<10x80x128xf32, #tpu.memory_space<vmem>> -> memref<1x80x128xf32, #tpu.memory_space<vmem>>
    %dma_start3A_166 = tpu.memref_squeeze %dma_start3A_165 : memref<1x80x128xf32, #tpu.memory_space<vmem>> -> memref<80x128xf32, #tpu.memory_space<vmem>>
    %dma_start3A_167 = arith.constant 0 : i32
    %dma_start3A_168 = tpu.memref_slice %arg4[%add3A_161, %dma_start3A_167] : memref<204800x128xf32, #tpu.memory_space<hbm>> -> memref<80x128xf32, #tpu.memory_space<hbm>>
    %dma_start3A_169 = arith.constant 0 : i32
    %dma_start3A_170 = tpu.memref_slice %arg4[%add3A_161, %dma_start3A_169] : memref<204800x128xf32, #tpu.memory_space<hbm>> -> memref<80x128xf32, #tpu.memory_space<hbm>>
    %dma_start3A_171 = arith.constant 0 : i32
    %dma_start3A_172 = arith.constant 0 : i32
    %dma_start3A_173 = tpu.memref_slice %arg6[%dma_start3A_162, %dma_start3A_171, %dma_start3A_172] : memref<10x80x128xf32, #tpu.memory_space<vmem>> -> memref<1x80x128xf32, #tpu.memory_space<vmem>>
    %dma_start3A_174 = tpu.memref_squeeze %dma_start3A_173 : memref<1x80x128xf32, #tpu.memory_space<vmem>> -> memref<80x128xf32, #tpu.memory_space<vmem>>
    tpu.enqueue_dma source(%dma_start3A_174 : memref<80x128xf32, #tpu.memory_space<vmem>>) target(%dma_start3A_170 : memref<80x128xf32, #tpu.memory_space<hbm>>) target_semaphore(%arg18 : memref<!tpu.dma_semaphore, #tpu.memory_space<semaphore_mem>>)
    %dma_wait3A_175 = arith.constant 2 : i32
    %dma_wait3A_176 = arith.constant 2 : i32
    %dma_wait3A_177 = arith.constant 0 : i32
    %dma_wait3A_178 = arith.constant 0 : i32
    %dma_wait3A_179 = tpu.memref_slice %arg6[%dma_wait3A_176, %dma_wait3A_177, %dma_wait3A_178] : memref<10x80x128xf32, #tpu.memory_space<vmem>> -> memref<1x80x128xf32, #tpu.memory_space<vmem>>
    %dma_wait3A_180 = tpu.memref_squeeze %dma_wait3A_179 : memref<1x80x128xf32, #tpu.memory_space<vmem>> -> memref<80x128xf32, #tpu.memory_space<vmem>>
    %dma_wait3A_181 = arith.constant 0 : i32
    %dma_wait3A_182 = tpu.memref_slice %arg5[%dma_wait3A_175, %dma_wait3A_181] : memref<80x80xi32, #tpu.memory_space<vmem>> -> memref<1x80xi32, #tpu.memory_space<vmem>>
    %dma_wait3A_183 = tpu.memref_squeeze %dma_wait3A_182 : memref<1x80xi32, #tpu.memory_space<vmem>> -> memref<80xi32, #tpu.memory_space<vmem>>
    %dma_wait3A_184 = arith.constant 0 : i32
    %dma_wait3A_185 = arith.constant 0 : i32
    %dma_wait3A_186 = tpu.memref_slice %arg3[%dma_wait3A_184, %dma_wait3A_185] : memref<100000x128xf32, #tpu.memory_space<hbm>> -> memref<100000x128xf32, #tpu.memory_space<hbm>>
    tpu.wait_indirect_dma semaphore(%arg9 : memref<!tpu.dma_semaphore, #tpu.memory_space<semaphore_mem>>) src(%dma_wait3A_186 : memref<100000x128xf32, #tpu.memory_space<hbm>>) dst(%dma_wait3A_180 : memref<80x128xf32, #tpu.memory_space<vmem>>)
    %add3A_187 = arith.constant 160 : i32
    %add3A_188 = arith.addi %mul3A_2, %add3A_187 : i32
    %dma_start3A_189 = arith.constant 2 : i32
    %dma_start3A_190 = arith.constant 0 : i32
    %dma_start3A_191 = arith.constant 0 : i32
    %dma_start3A_192 = tpu.memref_slice %arg6[%dma_start3A_189, %dma_start3A_190, %dma_start3A_191] : memref<10x80x128xf32, #tpu.memory_space<vmem>> -> memref<1x80x128xf32, #tpu.memory_space<vmem>>
    %dma_start3A_193 = tpu.memref_squeeze %dma_start3A_192 : memref<1x80x128xf32, #tpu.memory_space<vmem>> -> memref<80x128xf32, #tpu.memory_space<vmem>>
    %dma_start3A_194 = arith.constant 0 : i32
    %dma_start3A_195 = tpu.memref_slice %arg4[%add3A_188, %dma_start3A_194] : memref<204800x128xf32, #tpu.memory_space<hbm>> -> memref<80x128xf32, #tpu.memory_space<hbm>>
    %dma_start3A_196 = arith.constant 0 : i32
    %dma_start3A_197 = tpu.memref_slice %arg4[%add3A_188, %dma_start3A_196] : memref<204800x128xf32, #tpu.memory_space<hbm>> -> memref<80x128xf32, #tpu.memory_space<hbm>>
    %dma_start3A_198 = arith.constant 0 : i32
    %dma_start3A_199 = arith.constant 0 : i32
    %dma_start3A_200 = tpu.memref_slice %arg6[%dma_start3A_189, %dma_start3A_198, %dma_start3A_199] : memref<10x80x128xf32, #tpu.memory_space<vmem>> -> memref<1x80x128xf32, #tpu.memory_space<vmem>>
    %dma_start3A_201 = tpu.memref_squeeze %dma_start3A_200 : memref<1x80x128xf32, #tpu.memory_space<vmem>> -> memref<80x128xf32, #tpu.memory_space<vmem>>
    tpu.enqueue_dma source(%dma_start3A_201 : memref<80x128xf32, #tpu.memory_space<vmem>>) target(%dma_start3A_197 : memref<80x128xf32, #tpu.memory_space<hbm>>) target_semaphore(%arg19 : memref<!tpu.dma_semaphore, #tpu.memory_space<semaphore_mem>>)
    %dma_wait3A_202 = arith.constant 3 : i32
    %dma_wait3A_203 = arith.constant 3 : i32
    %dma_wait3A_204 = arith.constant 0 : i32
    %dma_wait3A_205 = arith.constant 0 : i32
    %dma_wait3A_206 = tpu.memref_slice %arg6[%dma_wait3A_203, %dma_wait3A_204, %dma_wait3A_205] : memref<10x80x128xf32, #tpu.memory_space<vmem>> -> memref<1x80x128xf32, #tpu.memory_space<vmem>>
    %dma_wait3A_207 = tpu.memref_squeeze %dma_wait3A_206 : memref<1x80x128xf32, #tpu.memory_space<vmem>> -> memref<80x128xf32, #tpu.memory_space<vmem>>
    %dma_wait3A_208 = arith.constant 0 : i32
    %dma_wait3A_209 = tpu.memref_slice %arg5[%dma_wait3A_202, %dma_wait3A_208] : memref<80x80xi32, #tpu.memory_space<vmem>> -> memref<1x80xi32, #tpu.memory_space<vmem>>
    %dma_wait3A_210 = tpu.memref_squeeze %dma_wait3A_209 : memref<1x80xi32, #tpu.memory_space<vmem>> -> memref<80xi32, #tpu.memory_space<vmem>>
    %dma_wait3A_211 = arith.constant 0 : i32
    %dma_wait3A_212 = arith.constant 0 : i32
    %dma_wait3A_213 = tpu.memref_slice %arg3[%dma_wait3A_211, %dma_wait3A_212] : memref<100000x128xf32, #tpu.memory_space<hbm>> -> memref<100000x128xf32, #tpu.memory_space<hbm>>
    tpu.wait_indirect_dma semaphore(%arg10 : memref<!tpu.dma_semaphore, #tpu.memory_space<semaphore_mem>>) src(%dma_wait3A_213 : memref<100000x128xf32, #tpu.memory_space<hbm>>) dst(%dma_wait3A_207 : memref<80x128xf32, #tpu.memory_space<vmem>>)
    %add3A_214 = arith.constant 240 : i32
    %add3A_215 = arith.addi %mul3A_2, %add3A_214 : i32
    %dma_start3A_216 = arith.constant 3 : i32
    %dma_start3A_217 = arith.constant 0 : i32
    %dma_start3A_218 = arith.constant 0 : i32
    %dma_start3A_219 = tpu.memref_slice %arg6[%dma_start3A_216, %dma_start3A_217, %dma_start3A_218] : memref<10x80x128xf32, #tpu.memory_space<vmem>> -> memref<1x80x128xf32, #tpu.memory_space<vmem>>
    %dma_start3A_220 = tpu.memref_squeeze %dma_start3A_219 : memref<1x80x128xf32, #tpu.memory_space<vmem>> -> memref<80x128xf32, #tpu.memory_space<vmem>>
    %dma_start3A_221 = arith.constant 0 : i32
    %dma_start3A_222 = tpu.memref_slice %arg4[%add3A_215, %dma_start3A_221] : memref<204800x128xf32, #tpu.memory_space<hbm>> -> memref<80x128xf32, #tpu.memory_space<hbm>>
    %dma_start3A_223 = arith.constant 0 : i32
    %dma_start3A_224 = tpu.memref_slice %arg4[%add3A_215, %dma_start3A_223] : memref<204800x128xf32, #tpu.memory_space<hbm>> -> memref<80x128xf32, #tpu.memory_space<hbm>>
    %dma_start3A_225 = arith.constant 0 : i32
    %dma_start3A_226 = arith.constant 0 : i32
    %dma_start3A_227 = tpu.memref_slice %arg6[%dma_start3A_216, %dma_start3A_225, %dma_start3A_226] : memref<10x80x128xf32, #tpu.memory_space<vmem>> -> memref<1x80x128xf32, #tpu.memory_space<vmem>>
    %dma_start3A_228 = tpu.memref_squeeze %dma_start3A_227 : memref<1x80x128xf32, #tpu.memory_space<vmem>> -> memref<80x128xf32, #tpu.memory_space<vmem>>
    tpu.enqueue_dma source(%dma_start3A_228 : memref<80x128xf32, #tpu.memory_space<vmem>>) target(%dma_start3A_224 : memref<80x128xf32, #tpu.memory_space<hbm>>) target_semaphore(%arg20 : memref<!tpu.dma_semaphore, #tpu.memory_space<semaphore_mem>>)
    %dma_wait3A_229 = arith.constant 4 : i32
    %dma_wait3A_230 = arith.constant 4 : i32
    %dma_wait3A_231 = arith.constant 0 : i32
    %dma_wait3A_232 = arith.constant 0 : i32
    %dma_wait3A_233 = tpu.memref_slice %arg6[%dma_wait3A_230, %dma_wait3A_231, %dma_wait3A_232] : memref<10x80x128xf32, #tpu.memory_space<vmem>> -> memref<1x80x128xf32, #tpu.memory_space<vmem>>
    %dma_wait3A_234 = tpu.memref_squeeze %dma_wait3A_233 : memref<1x80x128xf32, #tpu.memory_space<vmem>> -> memref<80x128xf32, #tpu.memory_space<vmem>>
    %dma_wait3A_235 = arith.constant 0 : i32
    %dma_wait3A_236 = tpu.memref_slice %arg5[%dma_wait3A_229, %dma_wait3A_235] : memref<80x80xi32, #tpu.memory_space<vmem>> -> memref<1x80xi32, #tpu.memory_space<vmem>>
    %dma_wait3A_237 = tpu.memref_squeeze %dma_wait3A_236 : memref<1x80xi32, #tpu.memory_space<vmem>> -> memref<80xi32, #tpu.memory_space<vmem>>
    %dma_wait3A_238 = arith.constant 0 : i32
    %dma_wait3A_239 = arith.constant 0 : i32
    %dma_wait3A_240 = tpu.memref_slice %arg3[%dma_wait3A_238, %dma_wait3A_239] : memref<100000x128xf32, #tpu.memory_space<hbm>> -> memref<100000x128xf32, #tpu.memory_space<hbm>>
    tpu.wait_indirect_dma semaphore(%arg11 : memref<!tpu.dma_semaphore, #tpu.memory_space<semaphore_mem>>) src(%dma_wait3A_240 : memref<100000x128xf32, #tpu.memory_space<hbm>>) dst(%dma_wait3A_234 : memref<80x128xf32, #tpu.memory_space<vmem>>)
    %add3A_241 = arith.constant 320 : i32
    %add3A_242 = arith.addi %mul3A_2, %add3A_241 : i32
    %dma_start3A_243 = arith.constant 4 : i32
    %dma_start3A_244 = arith.constant 0 : i32
    %dma_start3A_245 = arith.constant 0 : i32
    %dma_start3A_246 = tpu.memref_slice %arg6[%dma_start3A_243, %dma_start3A_244, %dma_start3A_245] : memref<10x80x128xf32, #tpu.memory_space<vmem>> -> memref<1x80x128xf32, #tpu.memory_space<vmem>>
    %dma_start3A_247 = tpu.memref_squeeze %dma_start3A_246 : memref<1x80x128xf32, #tpu.memory_space<vmem>> -> memref<80x128xf32, #tpu.memory_space<vmem>>
    %dma_start3A_248 = arith.constant 0 : i32
    %dma_start3A_249 = tpu.memref_slice %arg4[%add3A_242, %dma_start3A_248] : memref<204800x128xf32, #tpu.memory_space<hbm>> -> memref<80x128xf32, #tpu.memory_space<hbm>>
    %dma_start3A_250 = arith.constant 0 : i32
    %dma_start3A_251 = tpu.memref_slice %arg4[%add3A_242, %dma_start3A_250] : memref<204800x128xf32, #tpu.memory_space<hbm>> -> memref<80x128xf32, #tpu.memory_space<hbm>>
    %dma_start3A_252 = arith.constant 0 : i32
    %dma_start3A_253 = arith.constant 0 : i32
    %dma_start3A_254 = tpu.memref_slice %arg6[%dma_start3A_243, %dma_start3A_252, %dma_start3A_253] : memref<10x80x128xf32, #tpu.memory_space<vmem>> -> memref<1x80x128xf32, #tpu.memory_space<vmem>>
    %dma_start3A_255 = tpu.memref_squeeze %dma_start3A_254 : memref<1x80x128xf32, #tpu.memory_space<vmem>> -> memref<80x128xf32, #tpu.memory_space<vmem>>
    tpu.enqueue_dma source(%dma_start3A_255 : memref<80x128xf32, #tpu.memory_space<vmem>>) target(%dma_start3A_251 : memref<80x128xf32, #tpu.memory_space<hbm>>) target_semaphore(%arg21 : memref<!tpu.dma_semaphore, #tpu.memory_space<semaphore_mem>>)
    %dma_wait3A_256 = arith.constant 5 : i32
    %dma_wait3A_257 = arith.constant 5 : i32
    %dma_wait3A_258 = arith.constant 0 : i32
    %dma_wait3A_259 = arith.constant 0 : i32
    %dma_wait3A_260 = tpu.memref_slice %arg6[%dma_wait3A_257, %dma_wait3A_258, %dma_wait3A_259] : memref<10x80x128xf32, #tpu.memory_space<vmem>> -> memref<1x80x128xf32, #tpu.memory_space<vmem>>
    %dma_wait3A_261 = tpu.memref_squeeze %dma_wait3A_260 : memref<1x80x128xf32, #tpu.memory_space<vmem>> -> memref<80x128xf32, #tpu.memory_space<vmem>>
    %dma_wait3A_262 = arith.constant 0 : i32
    %dma_wait3A_263 = tpu.memref_slice %arg5[%dma_wait3A_256, %dma_wait3A_262] : memref<80x80xi32, #tpu.memory_space<vmem>> -> memref<1x80xi32, #tpu.memory_space<vmem>>
    %dma_wait3A_264 = tpu.memref_squeeze %dma_wait3A_263 : memref<1x80xi32, #tpu.memory_space<vmem>> -> memref<80xi32, #tpu.memory_space<vmem>>
    %dma_wait3A_265 = arith.constant 0 : i32
    %dma_wait3A_266 = arith.constant 0 : i32
    %dma_wait3A_267 = tpu.memref_slice %arg3[%dma_wait3A_265, %dma_wait3A_266] : memref<100000x128xf32, #tpu.memory_space<hbm>> -> memref<100000x128xf32, #tpu.memory_space<hbm>>
    tpu.wait_indirect_dma semaphore(%arg12 : memref<!tpu.dma_semaphore, #tpu.memory_space<semaphore_mem>>) src(%dma_wait3A_267 : memref<100000x128xf32, #tpu.memory_space<hbm>>) dst(%dma_wait3A_261 : memref<80x128xf32, #tpu.memory_space<vmem>>)
    %add3A_268 = arith.constant 400 : i32
    %add3A_269 = arith.addi %mul3A_2, %add3A_268 : i32
    %dma_start3A_270 = arith.constant 5 : i32
    %dma_start3A_271 = arith.constant 0 : i32
    %dma_start3A_272 = arith.constant 0 : i32
    %dma_start3A_273 = tpu.memref_slice %arg6[%dma_start3A_270, %dma_start3A_271, %dma_start3A_272] : memref<10x80x128xf32, #tpu.memory_space<vmem>> -> memref<1x80x128xf32, #tpu.memory_space<vmem>>
    %dma_start3A_274 = tpu.memref_squeeze %dma_start3A_273 : memref<1x80x128xf32, #tpu.memory_space<vmem>> -> memref<80x128xf32, #tpu.memory_space<vmem>>
    %dma_start3A_275 = arith.constant 0 : i32
    %dma_start3A_276 = tpu.memref_slice %arg4[%add3A_269, %dma_start3A_275] : memref<204800x128xf32, #tpu.memory_space<hbm>> -> memref<80x128xf32, #tpu.memory_space<hbm>>
    %dma_start3A_277 = arith.constant 0 : i32
    %dma_start3A_278 = tpu.memref_slice %arg4[%add3A_269, %dma_start3A_277] : memref<204800x128xf32, #tpu.memory_space<hbm>> -> memref<80x128xf32, #tpu.memory_space<hbm>>
    %dma_start3A_279 = arith.constant 0 : i32
    %dma_start3A_280 = arith.constant 0 : i32
    %dma_start3A_281 = tpu.memref_slice %arg6[%dma_start3A_270, %dma_start3A_279, %dma_start3A_280] : memref<10x80x128xf32, #tpu.memory_space<vmem>> -> memref<1x80x128xf32, #tpu.memory_space<vmem>>
    %dma_start3A_282 = tpu.memref_squeeze %dma_start3A_281 : memref<1x80x128xf32, #tpu.memory_space<vmem>> -> memref<80x128xf32, #tpu.memory_space<vmem>>
    tpu.enqueue_dma source(%dma_start3A_282 : memref<80x128xf32, #tpu.memory_space<vmem>>) target(%dma_start3A_278 : memref<80x128xf32, #tpu.memory_space<hbm>>) target_semaphore(%arg22 : memref<!tpu.dma_semaphore, #tpu.memory_space<semaphore_mem>>)
    %dma_wait3A_283 = arith.constant 6 : i32
    %dma_wait3A_284 = arith.constant 6 : i32
    %dma_wait3A_285 = arith.constant 0 : i32
    %dma_wait3A_286 = arith.constant 0 : i32
    %dma_wait3A_287 = tpu.memref_slice %arg6[%dma_wait3A_284, %dma_wait3A_285, %dma_wait3A_286] : memref<10x80x128xf32, #tpu.memory_space<vmem>> -> memref<1x80x128xf32, #tpu.memory_space<vmem>>
    %dma_wait3A_288 = tpu.memref_squeeze %dma_wait3A_287 : memref<1x80x128xf32, #tpu.memory_space<vmem>> -> memref<80x128xf32, #tpu.memory_space<vmem>>
    %dma_wait3A_289 = arith.constant 0 : i32
    %dma_wait3A_290 = tpu.memref_slice %arg5[%dma_wait3A_283, %dma_wait3A_289] : memref<80x80xi32, #tpu.memory_space<vmem>> -> memref<1x80xi32, #tpu.memory_space<vmem>>
    %dma_wait3A_291 = tpu.memref_squeeze %dma_wait3A_290 : memref<1x80xi32, #tpu.memory_space<vmem>> -> memref<80xi32, #tpu.memory_space<vmem>>
    %dma_wait3A_292 = arith.constant 0 : i32
    %dma_wait3A_293 = arith.constant 0 : i32
    %dma_wait3A_294 = tpu.memref_slice %arg3[%dma_wait3A_292, %dma_wait3A_293] : memref<100000x128xf32, #tpu.memory_space<hbm>> -> memref<100000x128xf32, #tpu.memory_space<hbm>>
    tpu.wait_indirect_dma semaphore(%arg13 : memref<!tpu.dma_semaphore, #tpu.memory_space<semaphore_mem>>) src(%dma_wait3A_294 : memref<100000x128xf32, #tpu.memory_space<hbm>>) dst(%dma_wait3A_288 : memref<80x128xf32, #tpu.memory_space<vmem>>)
    %add3A_295 = arith.constant 480 : i32
    %add3A_296 = arith.addi %mul3A_2, %add3A_295 : i32
    %dma_start3A_297 = arith.constant 6 : i32
    %dma_start3A_298 = arith.constant 0 : i32
    %dma_start3A_299 = arith.constant 0 : i32
    %dma_start3A_300 = tpu.memref_slice %arg6[%dma_start3A_297, %dma_start3A_298, %dma_start3A_299] : memref<10x80x128xf32, #tpu.memory_space<vmem>> -> memref<1x80x128xf32, #tpu.memory_space<vmem>>
    %dma_start3A_301 = tpu.memref_squeeze %dma_start3A_300 : memref<1x80x128xf32, #tpu.memory_space<vmem>> -> memref<80x128xf32, #tpu.memory_space<vmem>>
    %dma_start3A_302 = arith.constant 0 : i32
    %dma_start3A_303 = tpu.memref_slice %arg4[%add3A_296, %dma_start3A_302] : memref<204800x128xf32, #tpu.memory_space<hbm>> -> memref<80x128xf32, #tpu.memory_space<hbm>>
    %dma_start3A_304 = arith.constant 0 : i32
    %dma_start3A_305 = tpu.memref_slice %arg4[%add3A_296, %dma_start3A_304] : memref<204800x128xf32, #tpu.memory_space<hbm>> -> memref<80x128xf32, #tpu.memory_space<hbm>>
    %dma_start3A_306 = arith.constant 0 : i32
    %dma_start3A_307 = arith.constant 0 : i32
    %dma_start3A_308 = tpu.memref_slice %arg6[%dma_start3A_297, %dma_start3A_306, %dma_start3A_307] : memref<10x80x128xf32, #tpu.memory_space<vmem>> -> memref<1x80x128xf32, #tpu.memory_space<vmem>>
    %dma_start3A_309 = tpu.memref_squeeze %dma_start3A_308 : memref<1x80x128xf32, #tpu.memory_space<vmem>> -> memref<80x128xf32, #tpu.memory_space<vmem>>
    tpu.enqueue_dma source(%dma_start3A_309 : memref<80x128xf32, #tpu.memory_space<vmem>>) target(%dma_start3A_305 : memref<80x128xf32, #tpu.memory_space<hbm>>) target_semaphore(%arg23 : memref<!tpu.dma_semaphore, #tpu.memory_space<semaphore_mem>>)
    %dma_wait3A_310 = arith.constant 7 : i32
    %dma_wait3A_311 = arith.constant 7 : i32
    %dma_wait3A_312 = arith.constant 0 : i32
    %dma_wait3A_313 = arith.constant 0 : i32
    %dma_wait3A_314 = tpu.memref_slice %arg6[%dma_wait3A_311, %dma_wait3A_312, %dma_wait3A_313] : memref<10x80x128xf32, #tpu.memory_space<vmem>> -> memref<1x80x128xf32, #tpu.memory_space<vmem>>
    %dma_wait3A_315 = tpu.memref_squeeze %dma_wait3A_314 : memref<1x80x128xf32, #tpu.memory_space<vmem>> -> memref<80x128xf32, #tpu.memory_space<vmem>>
    %dma_wait3A_316 = arith.constant 0 : i32
    %dma_wait3A_317 = tpu.memref_slice %arg5[%dma_wait3A_310, %dma_wait3A_316] : memref<80x80xi32, #tpu.memory_space<vmem>> -> memref<1x80xi32, #tpu.memory_space<vmem>>
    %dma_wait3A_318 = tpu.memref_squeeze %dma_wait3A_317 : memref<1x80xi32, #tpu.memory_space<vmem>> -> memref<80xi32, #tpu.memory_space<vmem>>
    %dma_wait3A_319 = arith.constant 0 : i32
    %dma_wait3A_320 = arith.constant 0 : i32
    %dma_wait3A_321 = tpu.memref_slice %arg3[%dma_wait3A_319, %dma_wait3A_320] : memref<100000x128xf32, #tpu.memory_space<hbm>> -> memref<100000x128xf32, #tpu.memory_space<hbm>>
    tpu.wait_indirect_dma semaphore(%arg14 : memref<!tpu.dma_semaphore, #tpu.memory_space<semaphore_mem>>) src(%dma_wait3A_321 : memref<100000x128xf32, #tpu.memory_space<hbm>>) dst(%dma_wait3A_315 : memref<80x128xf32, #tpu.memory_space<vmem>>)
    %add3A_322 = arith.constant 560 : i32
    %add3A_323 = arith.addi %mul3A_2, %add3A_322 : i32
    %dma_start3A_324 = arith.constant 7 : i32
    %dma_start3A_325 = arith.constant 0 : i32
    %dma_start3A_326 = arith.constant 0 : i32
    %dma_start3A_327 = tpu.memref_slice %arg6[%dma_start3A_324, %dma_start3A_325, %dma_start3A_326] : memref<10x80x128xf32, #tpu.memory_space<vmem>> -> memref<1x80x128xf32, #tpu.memory_space<vmem>>
    %dma_start3A_328 = tpu.memref_squeeze %dma_start3A_327 : memref<1x80x128xf32, #tpu.memory_space<vmem>> -> memref<80x128xf32, #tpu.memory_space<vmem>>
    %dma_start3A_329 = arith.constant 0 : i32
    %dma_start3A_330 = tpu.memref_slice %arg4[%add3A_323, %dma_start3A_329] : memref<204800x128xf32, #tpu.memory_space<hbm>> -> memref<80x128xf32, #tpu.memory_space<hbm>>
    %dma_start3A_331 = arith.constant 0 : i32
    %dma_start3A_332 = tpu.memref_slice %arg4[%add3A_323, %dma_start3A_331] : memref<204800x128xf32, #tpu.memory_space<hbm>> -> memref<80x128xf32, #tpu.memory_space<hbm>>
    %dma_start3A_333 = arith.constant 0 : i32
    %dma_start3A_334 = arith.constant 0 : i32
    %dma_start3A_335 = tpu.memref_slice %arg6[%dma_start3A_324, %dma_start3A_333, %dma_start3A_334] : memref<10x80x128xf32, #tpu.memory_space<vmem>> -> memref<1x80x128xf32, #tpu.memory_space<vmem>>
    %dma_start3A_336 = tpu.memref_squeeze %dma_start3A_335 : memref<1x80x128xf32, #tpu.memory_space<vmem>> -> memref<80x128xf32, #tpu.memory_space<vmem>>
    tpu.enqueue_dma source(%dma_start3A_336 : memref<80x128xf32, #tpu.memory_space<vmem>>) target(%dma_start3A_332 : memref<80x128xf32, #tpu.memory_space<hbm>>) target_semaphore(%arg24 : memref<!tpu.dma_semaphore, #tpu.memory_space<semaphore_mem>>)
    %dma_wait3A_337 = arith.constant 8 : i32
    %dma_wait3A_338 = arith.constant 8 : i32
    %dma_wait3A_339 = arith.constant 0 : i32
    %dma_wait3A_340 = arith.constant 0 : i32
    %dma_wait3A_341 = tpu.memref_slice %arg6[%dma_wait3A_338, %dma_wait3A_339, %dma_wait3A_340] : memref<10x80x128xf32, #tpu.memory_space<vmem>> -> memref<1x80x128xf32, #tpu.memory_space<vmem>>
    %dma_wait3A_342 = tpu.memref_squeeze %dma_wait3A_341 : memref<1x80x128xf32, #tpu.memory_space<vmem>> -> memref<80x128xf32, #tpu.memory_space<vmem>>
    %dma_wait3A_343 = arith.constant 0 : i32
    %dma_wait3A_344 = tpu.memref_slice %arg5[%dma_wait3A_337, %dma_wait3A_343] : memref<80x80xi32, #tpu.memory_space<vmem>> -> memref<1x80xi32, #tpu.memory_space<vmem>>
    %dma_wait3A_345 = tpu.memref_squeeze %dma_wait3A_344 : memref<1x80xi32, #tpu.memory_space<vmem>> -> memref<80xi32, #tpu.memory_space<vmem>>
    %dma_wait3A_346 = arith.constant 0 : i32
    %dma_wait3A_347 = arith.constant 0 : i32
    %dma_wait3A_348 = tpu.memref_slice %arg3[%dma_wait3A_346, %dma_wait3A_347] : memref<100000x128xf32, #tpu.memory_space<hbm>> -> memref<100000x128xf32, #tpu.memory_space<hbm>>
    tpu.wait_indirect_dma semaphore(%arg15 : memref<!tpu.dma_semaphore, #tpu.memory_space<semaphore_mem>>) src(%dma_wait3A_348 : memref<100000x128xf32, #tpu.memory_space<hbm>>) dst(%dma_wait3A_342 : memref<80x128xf32, #tpu.memory_space<vmem>>)
    %add3A_349 = arith.constant 640 : i32
    %add3A_350 = arith.addi %mul3A_2, %add3A_349 : i32
    %dma_start3A_351 = arith.constant 8 : i32
    %dma_start3A_352 = arith.constant 0 : i32
    %dma_start3A_353 = arith.constant 0 : i32
    %dma_start3A_354 = tpu.memref_slice %arg6[%dma_start3A_351, %dma_start3A_352, %dma_start3A_353] : memref<10x80x128xf32, #tpu.memory_space<vmem>> -> memref<1x80x128xf32, #tpu.memory_space<vmem>>
    %dma_start3A_355 = tpu.memref_squeeze %dma_start3A_354 : memref<1x80x128xf32, #tpu.memory_space<vmem>> -> memref<80x128xf32, #tpu.memory_space<vmem>>
    %dma_start3A_356 = arith.constant 0 : i32
    %dma_start3A_357 = tpu.memref_slice %arg4[%add3A_350, %dma_start3A_356] : memref<204800x128xf32, #tpu.memory_space<hbm>> -> memref<80x128xf32, #tpu.memory_space<hbm>>
    %dma_start3A_358 = arith.constant 0 : i32
    %dma_start3A_359 = tpu.memref_slice %arg4[%add3A_350, %dma_start3A_358] : memref<204800x128xf32, #tpu.memory_space<hbm>> -> memref<80x128xf32, #tpu.memory_space<hbm>>
    %dma_start3A_360 = arith.constant 0 : i32
    %dma_start3A_361 = arith.constant 0 : i32
    %dma_start3A_362 = tpu.memref_slice %arg6[%dma_start3A_351, %dma_start3A_360, %dma_start3A_361] : memref<10x80x128xf32, #tpu.memory_space<vmem>> -> memref<1x80x128xf32, #tpu.memory_space<vmem>>
    %dma_start3A_363 = tpu.memref_squeeze %dma_start3A_362 : memref<1x80x128xf32, #tpu.memory_space<vmem>> -> memref<80x128xf32, #tpu.memory_space<vmem>>
    tpu.enqueue_dma source(%dma_start3A_363 : memref<80x128xf32, #tpu.memory_space<vmem>>) target(%dma_start3A_359 : memref<80x128xf32, #tpu.memory_space<hbm>>) target_semaphore(%arg25 : memref<!tpu.dma_semaphore, #tpu.memory_space<semaphore_mem>>)
    %dma_wait3A_364 = arith.constant 9 : i32
    %dma_wait3A_365 = arith.constant 9 : i32
    %dma_wait3A_366 = arith.constant 0 : i32
    %dma_wait3A_367 = arith.constant 0 : i32
    %dma_wait3A_368 = tpu.memref_slice %arg6[%dma_wait3A_365, %dma_wait3A_366, %dma_wait3A_367] : memref<10x80x128xf32, #tpu.memory_space<vmem>> -> memref<1x80x128xf32, #tpu.memory_space<vmem>>
    %dma_wait3A_369 = tpu.memref_squeeze %dma_wait3A_368 : memref<1x80x128xf32, #tpu.memory_space<vmem>> -> memref<80x128xf32, #tpu.memory_space<vmem>>
    %dma_wait3A_370 = arith.constant 0 : i32
    %dma_wait3A_371 = tpu.memref_slice %arg5[%dma_wait3A_364, %dma_wait3A_370] : memref<80x80xi32, #tpu.memory_space<vmem>> -> memref<1x80xi32, #tpu.memory_space<vmem>>
    %dma_wait3A_372 = tpu.memref_squeeze %dma_wait3A_371 : memref<1x80xi32, #tpu.memory_space<vmem>> -> memref<80xi32, #tpu.memory_space<vmem>>
    %dma_wait3A_373 = arith.constant 0 : i32
    %dma_wait3A_374 = arith.constant 0 : i32
    %dma_wait3A_375 = tpu.memref_slice %arg3[%dma_wait3A_373, %dma_wait3A_374] : memref<100000x128xf32, #tpu.memory_space<hbm>> -> memref<100000x128xf32, #tpu.memory_space<hbm>>
    tpu.wait_indirect_dma semaphore(%arg16 : memref<!tpu.dma_semaphore, #tpu.memory_space<semaphore_mem>>) src(%dma_wait3A_375 : memref<100000x128xf32, #tpu.memory_space<hbm>>) dst(%dma_wait3A_369 : memref<80x128xf32, #tpu.memory_space<vmem>>)
    %add3A_376 = arith.constant 720 : i32
    %add3A_377 = arith.addi %mul3A_2, %add3A_376 : i32
    %dma_start3A_378 = arith.constant 9 : i32
    %dma_start3A_379 = arith.constant 0 : i32
    %dma_start3A_380 = arith.constant 0 : i32
    %dma_start3A_381 = tpu.memref_slice %arg6[%dma_start3A_378, %dma_start3A_379, %dma_start3A_380] : memref<10x80x128xf32, #tpu.memory_space<vmem>> -> memref<1x80x128xf32, #tpu.memory_space<vmem>>
    %dma_start3A_382 = tpu.memref_squeeze %dma_start3A_381 : memref<1x80x128xf32, #tpu.memory_space<vmem>> -> memref<80x128xf32, #tpu.memory_space<vmem>>
    %dma_start3A_383 = arith.constant 0 : i32
    %dma_start3A_384 = tpu.memref_slice %arg4[%add3A_377, %dma_start3A_383] : memref<204800x128xf32, #tpu.memory_space<hbm>> -> memref<80x128xf32, #tpu.memory_space<hbm>>
    %dma_start3A_385 = arith.constant 0 : i32
    %dma_start3A_386 = tpu.memref_slice %arg4[%add3A_377, %dma_start3A_385] : memref<204800x128xf32, #tpu.memory_space<hbm>> -> memref<80x128xf32, #tpu.memory_space<hbm>>
    %dma_start3A_387 = arith.constant 0 : i32
    %dma_start3A_388 = arith.constant 0 : i32
    %dma_start3A_389 = tpu.memref_slice %arg6[%dma_start3A_378, %dma_start3A_387, %dma_start3A_388] : memref<10x80x128xf32, #tpu.memory_space<vmem>> -> memref<1x80x128xf32, #tpu.memory_space<vmem>>
    %dma_start3A_390 = tpu.memref_squeeze %dma_start3A_389 : memref<1x80x128xf32, #tpu.memory_space<vmem>> -> memref<80x128xf32, #tpu.memory_space<vmem>>
    tpu.enqueue_dma source(%dma_start3A_390 : memref<80x128xf32, #tpu.memory_space<vmem>>) target(%dma_start3A_386 : memref<80x128xf32, #tpu.memory_space<hbm>>) target_semaphore(%arg26 : memref<!tpu.dma_semaphore, #tpu.memory_space<semaphore_mem>>)
    %scan3A = arith.constant 0 : i32
    %scan3A_391 = arith.constant 7 : i32
    %scan3A_392 = arith.addi %scan3A, %scan3A_391 : i32
    %scan3A_393 = arith.constant 1 : i32
    scf.for %scan3A_545 = %scan3A to %scan3A_392 step %scan3A_393  : i32 {
      %mul3A_546 = arith.constant 1 : i32
      %mul3A_547 = arith.muli %scan3A_545, %mul3A_546 : i32
      %add3A_548 = arith.constant 1 : i32
      %add3A_549 = arith.addi %add3A_548, %mul3A_547 : i32
      %mul3A_550 = arith.constant 10 : i32
      %mul3A_551 = arith.muli %add3A_549, %mul3A_550 : i32
      %add3A_552 = arith.constant 0 : i32
      %add3A_553 = arith.addi %mul3A_551, %add3A_552 : i32
      %sub3A = arith.constant 10 : i32
      %sub3A_554 = arith.subi %add3A_553, %sub3A : i32
      %mul3A_555 = arith.constant 80 : i32
      %mul3A_556 = arith.muli %sub3A_554, %mul3A_555 : i32
      %add3A_557 = arith.addi %mul3A_2, %mul3A_556 : i32
      %dma_wait3A_558 = arith.constant 0 : i32
      %dma_wait3A_559 = arith.constant 0 : i32
      %dma_wait3A_560 = arith.constant 0 : i32
      %dma_wait3A_561 = tpu.memref_slice %arg6[%dma_wait3A_558, %dma_wait3A_559, %dma_wait3A_560] : memref<10x80x128xf32, #tpu.memory_space<vmem>> -> memref<1x80x128xf32, #tpu.memory_space<vmem>>
      %dma_wait3A_562 = tpu.memref_squeeze %dma_wait3A_561 : memref<1x80x128xf32, #tpu.memory_space<vmem>> -> memref<80x128xf32, #tpu.memory_space<vmem>>
      %dma_wait3A_563 = arith.constant 0 : i32
      %dma_wait3A_564 = tpu.memref_slice %arg4[%add3A_557, %dma_wait3A_563] : memref<204800x128xf32, #tpu.memory_space<hbm>> -> memref<80x128xf32, #tpu.memory_space<hbm>>
      %dma_wait3A_565 = arith.constant 0 : i32
      %dma_wait3A_566 = tpu.memref_slice %arg4[%add3A_557, %dma_wait3A_565] : memref<204800x128xf32, #tpu.memory_space<hbm>> -> memref<80x128xf32, #tpu.memory_space<hbm>>
      %dma_wait3A_567 = arith.constant 0 : i32
      %dma_wait3A_568 = arith.constant 0 : i32
      %dma_wait3A_569 = tpu.memref_slice %arg6[%dma_wait3A_558, %dma_wait3A_567, %dma_wait3A_568] : memref<10x80x128xf32, #tpu.memory_space<vmem>> -> memref<1x80x128xf32, #tpu.memory_space<vmem>>
      %dma_wait3A_570 = tpu.memref_squeeze %dma_wait3A_569 : memref<1x80x128xf32, #tpu.memory_space<vmem>> -> memref<80x128xf32, #tpu.memory_space<vmem>>
      tpu.wait_dma2 semaphore(%arg17 : memref<!tpu.dma_semaphore, #tpu.memory_space<semaphore_mem>>) src(%dma_wait3A_570 : memref<80x128xf32, #tpu.memory_space<vmem>>) dst(%dma_wait3A_566 : memref<80x128xf32, #tpu.memory_space<hbm>>)
      %dma_start3A_571 = arith.constant 0 : i32
      %dma_start3A_572 = arith.constant 0 : i32
      %dma_start3A_573 = arith.constant 0 : i32
      %dma_start3A_574 = tpu.memref_slice %arg6[%dma_start3A_571, %dma_start3A_572, %dma_start3A_573] : memref<10x80x128xf32, #tpu.memory_space<vmem>> -> memref<1x80x128xf32, #tpu.memory_space<vmem>>
      %dma_start3A_575 = tpu.memref_squeeze %dma_start3A_574 : memref<1x80x128xf32, #tpu.memory_space<vmem>> -> memref<80x128xf32, #tpu.memory_space<vmem>>
      %dma_start3A_576 = arith.constant 0 : i32
      %dma_start3A_577 = tpu.memref_slice %arg5[%add3A_553, %dma_start3A_576] : memref<80x80xi32, #tpu.memory_space<vmem>> -> memref<1x80xi32, #tpu.memory_space<vmem>>
      %dma_start3A_578 = tpu.memref_squeeze %dma_start3A_577 : memref<1x80xi32, #tpu.memory_space<vmem>> -> memref<80xi32, #tpu.memory_space<vmem>>
      %dma_start3A_579 = arith.constant 0 : i32
      %dma_start3A_580 = arith.constant 0 : i32
      %dma_start3A_581 = tpu.memref_slice %arg3[%dma_start3A_579, %dma_start3A_580] : memref<100000x128xf32, #tpu.memory_space<hbm>> -> memref<100000x128xf32, #tpu.memory_space<hbm>>
      tpu.enqueue_indirect_dma source(%dma_start3A_581 : memref<100000x128xf32, #tpu.memory_space<hbm>>) target(%dma_start3A_575 : memref<80x128xf32, #tpu.memory_space<vmem>>) offsets(%dma_start3A_578 : memref<80xi32, #tpu.memory_space<vmem>>) semaphore(%arg7 : memref<!tpu.dma_semaphore, #tpu.memory_space<semaphore_mem>>)
      %add3A_582 = arith.constant 1 : i32
      %add3A_583 = arith.addi %mul3A_551, %add3A_582 : i32
      %sub3A_584 = arith.constant 10 : i32
      %sub3A_585 = arith.subi %add3A_583, %sub3A_584 : i32
      %mul3A_586 = arith.constant 80 : i32
      %mul3A_587 = arith.muli %sub3A_585, %mul3A_586 : i32
      %add3A_588 = arith.addi %mul3A_2, %mul3A_587 : i32
      %dma_wait3A_589 = arith.constant 1 : i32
      %dma_wait3A_590 = arith.constant 0 : i32
      %dma_wait3A_591 = arith.constant 0 : i32
      %dma_wait3A_592 = tpu.memref_slice %arg6[%dma_wait3A_589, %dma_wait3A_590, %dma_wait3A_591] : memref<10x80x128xf32, #tpu.memory_space<vmem>> -> memref<1x80x128xf32, #tpu.memory_space<vmem>>
      %dma_wait3A_593 = tpu.memref_squeeze %dma_wait3A_592 : memref<1x80x128xf32, #tpu.memory_space<vmem>> -> memref<80x128xf32, #tpu.memory_space<vmem>>
      %dma_wait3A_594 = arith.constant 0 : i32
      %dma_wait3A_595 = tpu.memref_slice %arg4[%add3A_588, %dma_wait3A_594] : memref<204800x128xf32, #tpu.memory_space<hbm>> -> memref<80x128xf32, #tpu.memory_space<hbm>>
      %dma_wait3A_596 = arith.constant 0 : i32
      %dma_wait3A_597 = tpu.memref_slice %arg4[%add3A_588, %dma_wait3A_596] : memref<204800x128xf32, #tpu.memory_space<hbm>> -> memref<80x128xf32, #tpu.memory_space<hbm>>
      %dma_wait3A_598 = arith.constant 0 : i32
      %dma_wait3A_599 = arith.constant 0 : i32
      %dma_wait3A_600 = tpu.memref_slice %arg6[%dma_wait3A_589, %dma_wait3A_598, %dma_wait3A_599] : memref<10x80x128xf32, #tpu.memory_space<vmem>> -> memref<1x80x128xf32, #tpu.memory_space<vmem>>
      %dma_wait3A_601 = tpu.memref_squeeze %dma_wait3A_600 : memref<1x80x128xf32, #tpu.memory_space<vmem>> -> memref<80x128xf32, #tpu.memory_space<vmem>>
      tpu.wait_dma2 semaphore(%arg18 : memref<!tpu.dma_semaphore, #tpu.memory_space<semaphore_mem>>) src(%dma_wait3A_601 : memref<80x128xf32, #tpu.memory_space<vmem>>) dst(%dma_wait3A_597 : memref<80x128xf32, #tpu.memory_space<hbm>>)
      %dma_start3A_602 = arith.constant 1 : i32
      %dma_start3A_603 = arith.constant 0 : i32
      %dma_start3A_604 = arith.constant 0 : i32
      %dma_start3A_605 = tpu.memref_slice %arg6[%dma_start3A_602, %dma_start3A_603, %dma_start3A_604] : memref<10x80x128xf32, #tpu.memory_space<vmem>> -> memref<1x80x128xf32, #tpu.memory_space<vmem>>
      %dma_start3A_606 = tpu.memref_squeeze %dma_start3A_605 : memref<1x80x128xf32, #tpu.memory_space<vmem>> -> memref<80x128xf32, #tpu.memory_space<vmem>>
      %dma_start3A_607 = arith.constant 0 : i32
      %dma_start3A_608 = tpu.memref_slice %arg5[%add3A_583, %dma_start3A_607] : memref<80x80xi32, #tpu.memory_space<vmem>> -> memref<1x80xi32, #tpu.memory_space<vmem>>
      %dma_start3A_609 = tpu.memref_squeeze %dma_start3A_608 : memref<1x80xi32, #tpu.memory_space<vmem>> -> memref<80xi32, #tpu.memory_space<vmem>>
      %dma_start3A_610 = arith.constant 0 : i32
      %dma_start3A_611 = arith.constant 0 : i32
      %dma_start3A_612 = tpu.memref_slice %arg3[%dma_start3A_610, %dma_start3A_611] : memref<100000x128xf32, #tpu.memory_space<hbm>> -> memref<100000x128xf32, #tpu.memory_space<hbm>>
      tpu.enqueue_indirect_dma source(%dma_start3A_612 : memref<100000x128xf32, #tpu.memory_space<hbm>>) target(%dma_start3A_606 : memref<80x128xf32, #tpu.memory_space<vmem>>) offsets(%dma_start3A_609 : memref<80xi32, #tpu.memory_space<vmem>>) semaphore(%arg8 : memref<!tpu.dma_semaphore, #tpu.memory_space<semaphore_mem>>)
      %add3A_613 = arith.constant 2 : i32
      %add3A_614 = arith.addi %mul3A_551, %add3A_613 : i32
      %sub3A_615 = arith.constant 10 : i32
      %sub3A_616 = arith.subi %add3A_614, %sub3A_615 : i32
      %mul3A_617 = arith.constant 80 : i32
      %mul3A_618 = arith.muli %sub3A_616, %mul3A_617 : i32
      %add3A_619 = arith.addi %mul3A_2, %mul3A_618 : i32
      %dma_wait3A_620 = arith.constant 2 : i32
      %dma_wait3A_621 = arith.constant 0 : i32
      %dma_wait3A_622 = arith.constant 0 : i32
      %dma_wait3A_623 = tpu.memref_slice %arg6[%dma_wait3A_620, %dma_wait3A_621, %dma_wait3A_622] : memref<10x80x128xf32, #tpu.memory_space<vmem>> -> memref<1x80x128xf32, #tpu.memory_space<vmem>>
      %dma_wait3A_624 = tpu.memref_squeeze %dma_wait3A_623 : memref<1x80x128xf32, #tpu.memory_space<vmem>> -> memref<80x128xf32, #tpu.memory_space<vmem>>
      %dma_wait3A_625 = arith.constant 0 : i32
      %dma_wait3A_626 = tpu.memref_slice %arg4[%add3A_619, %dma_wait3A_625] : memref<204800x128xf32, #tpu.memory_space<hbm>> -> memref<80x128xf32, #tpu.memory_space<hbm>>
      %dma_wait3A_627 = arith.constant 0 : i32
      %dma_wait3A_628 = tpu.memref_slice %arg4[%add3A_619, %dma_wait3A_627] : memref<204800x128xf32, #tpu.memory_space<hbm>> -> memref<80x128xf32, #tpu.memory_space<hbm>>
      %dma_wait3A_629 = arith.constant 0 : i32
      %dma_wait3A_630 = arith.constant 0 : i32
      %dma_wait3A_631 = tpu.memref_slice %arg6[%dma_wait3A_620, %dma_wait3A_629, %dma_wait3A_630] : memref<10x80x128xf32, #tpu.memory_space<vmem>> -> memref<1x80x128xf32, #tpu.memory_space<vmem>>
      %dma_wait3A_632 = tpu.memref_squeeze %dma_wait3A_631 : memref<1x80x128xf32, #tpu.memory_space<vmem>> -> memref<80x128xf32, #tpu.memory_space<vmem>>
      tpu.wait_dma2 semaphore(%arg19 : memref<!tpu.dma_semaphore, #tpu.memory_space<semaphore_mem>>) src(%dma_wait3A_632 : memref<80x128xf32, #tpu.memory_space<vmem>>) dst(%dma_wait3A_628 : memref<80x128xf32, #tpu.memory_space<hbm>>)
      %dma_start3A_633 = arith.constant 2 : i32
      %dma_start3A_634 = arith.constant 0 : i32
      %dma_start3A_635 = arith.constant 0 : i32
      %dma_start3A_636 = tpu.memref_slice %arg6[%dma_start3A_633, %dma_start3A_634, %dma_start3A_635] : memref<10x80x128xf32, #tpu.memory_space<vmem>> -> memref<1x80x128xf32, #tpu.memory_space<vmem>>
      %dma_start3A_637 = tpu.memref_squeeze %dma_start3A_636 : memref<1x80x128xf32, #tpu.memory_space<vmem>> -> memref<80x128xf32, #tpu.memory_space<vmem>>
      %dma_start3A_638 = arith.constant 0 : i32
      %dma_start3A_639 = tpu.memref_slice %arg5[%add3A_614, %dma_start3A_638] : memref<80x80xi32, #tpu.memory_space<vmem>> -> memref<1x80xi32, #tpu.memory_space<vmem>>
      %dma_start3A_640 = tpu.memref_squeeze %dma_start3A_639 : memref<1x80xi32, #tpu.memory_space<vmem>> -> memref<80xi32, #tpu.memory_space<vmem>>
      %dma_start3A_641 = arith.constant 0 : i32
      %dma_start3A_642 = arith.constant 0 : i32
      %dma_start3A_643 = tpu.memref_slice %arg3[%dma_start3A_641, %dma_start3A_642] : memref<100000x128xf32, #tpu.memory_space<hbm>> -> memref<100000x128xf32, #tpu.memory_space<hbm>>
      tpu.enqueue_indirect_dma source(%dma_start3A_643 : memref<100000x128xf32, #tpu.memory_space<hbm>>) target(%dma_start3A_637 : memref<80x128xf32, #tpu.memory_space<vmem>>) offsets(%dma_start3A_640 : memref<80xi32, #tpu.memory_space<vmem>>) semaphore(%arg9 : memref<!tpu.dma_semaphore, #tpu.memory_space<semaphore_mem>>)
      %add3A_644 = arith.constant 3 : i32
      %add3A_645 = arith.addi %mul3A_551, %add3A_644 : i32
      %sub3A_646 = arith.constant 10 : i32
      %sub3A_647 = arith.subi %add3A_645, %sub3A_646 : i32
      %mul3A_648 = arith.constant 80 : i32
      %mul3A_649 = arith.muli %sub3A_647, %mul3A_648 : i32
      %add3A_650 = arith.addi %mul3A_2, %mul3A_649 : i32
      %dma_wait3A_651 = arith.constant 3 : i32
      %dma_wait3A_652 = arith.constant 0 : i32
      %dma_wait3A_653 = arith.constant 0 : i32
      %dma_wait3A_654 = tpu.memref_slice %arg6[%dma_wait3A_651, %dma_wait3A_652, %dma_wait3A_653] : memref<10x80x128xf32, #tpu.memory_space<vmem>> -> memref<1x80x128xf32, #tpu.memory_space<vmem>>
      %dma_wait3A_655 = tpu.memref_squeeze %dma_wait3A_654 : memref<1x80x128xf32, #tpu.memory_space<vmem>> -> memref<80x128xf32, #tpu.memory_space<vmem>>
      %dma_wait3A_656 = arith.constant 0 : i32
      %dma_wait3A_657 = tpu.memref_slice %arg4[%add3A_650, %dma_wait3A_656] : memref<204800x128xf32, #tpu.memory_space<hbm>> -> memref<80x128xf32, #tpu.memory_space<hbm>>
      %dma_wait3A_658 = arith.constant 0 : i32
      %dma_wait3A_659 = tpu.memref_slice %arg4[%add3A_650, %dma_wait3A_658] : memref<204800x128xf32, #tpu.memory_space<hbm>> -> memref<80x128xf32, #tpu.memory_space<hbm>>
      %dma_wait3A_660 = arith.constant 0 : i32
      %dma_wait3A_661 = arith.constant 0 : i32
      %dma_wait3A_662 = tpu.memref_slice %arg6[%dma_wait3A_651, %dma_wait3A_660, %dma_wait3A_661] : memref<10x80x128xf32, #tpu.memory_space<vmem>> -> memref<1x80x128xf32, #tpu.memory_space<vmem>>
      %dma_wait3A_663 = tpu.memref_squeeze %dma_wait3A_662 : memref<1x80x128xf32, #tpu.memory_space<vmem>> -> memref<80x128xf32, #tpu.memory_space<vmem>>
      tpu.wait_dma2 semaphore(%arg20 : memref<!tpu.dma_semaphore, #tpu.memory_space<semaphore_mem>>) src(%dma_wait3A_663 : memref<80x128xf32, #tpu.memory_space<vmem>>) dst(%dma_wait3A_659 : memref<80x128xf32, #tpu.memory_space<hbm>>)
      %dma_start3A_664 = arith.constant 3 : i32
      %dma_start3A_665 = arith.constant 0 : i32
      %dma_start3A_666 = arith.constant 0 : i32
      %dma_start3A_667 = tpu.memref_slice %arg6[%dma_start3A_664, %dma_start3A_665, %dma_start3A_666] : memref<10x80x128xf32, #tpu.memory_space<vmem>> -> memref<1x80x128xf32, #tpu.memory_space<vmem>>
      %dma_start3A_668 = tpu.memref_squeeze %dma_start3A_667 : memref<1x80x128xf32, #tpu.memory_space<vmem>> -> memref<80x128xf32, #tpu.memory_space<vmem>>
      %dma_start3A_669 = arith.constant 0 : i32
      %dma_start3A_670 = tpu.memref_slice %arg5[%add3A_645, %dma_start3A_669] : memref<80x80xi32, #tpu.memory_space<vmem>> -> memref<1x80xi32, #tpu.memory_space<vmem>>
      %dma_start3A_671 = tpu.memref_squeeze %dma_start3A_670 : memref<1x80xi32, #tpu.memory_space<vmem>> -> memref<80xi32, #tpu.memory_space<vmem>>
      %dma_start3A_672 = arith.constant 0 : i32
      %dma_start3A_673 = arith.constant 0 : i32
      %dma_start3A_674 = tpu.memref_slice %arg3[%dma_start3A_672, %dma_start3A_673] : memref<100000x128xf32, #tpu.memory_space<hbm>> -> memref<100000x128xf32, #tpu.memory_space<hbm>>
      tpu.enqueue_indirect_dma source(%dma_start3A_674 : memref<100000x128xf32, #tpu.memory_space<hbm>>) target(%dma_start3A_668 : memref<80x128xf32, #tpu.memory_space<vmem>>) offsets(%dma_start3A_671 : memref<80xi32, #tpu.memory_space<vmem>>) semaphore(%arg10 : memref<!tpu.dma_semaphore, #tpu.memory_space<semaphore_mem>>)
      %add3A_675 = arith.constant 4 : i32
      %add3A_676 = arith.addi %mul3A_551, %add3A_675 : i32
      %sub3A_677 = arith.constant 10 : i32
      %sub3A_678 = arith.subi %add3A_676, %sub3A_677 : i32
      %mul3A_679 = arith.constant 80 : i32
      %mul3A_680 = arith.muli %sub3A_678, %mul3A_679 : i32
      %add3A_681 = arith.addi %mul3A_2, %mul3A_680 : i32
      %dma_wait3A_682 = arith.constant 4 : i32
      %dma_wait3A_683 = arith.constant 0 : i32
      %dma_wait3A_684 = arith.constant 0 : i32
      %dma_wait3A_685 = tpu.memref_slice %arg6[%dma_wait3A_682, %dma_wait3A_683, %dma_wait3A_684] : memref<10x80x128xf32, #tpu.memory_space<vmem>> -> memref<1x80x128xf32, #tpu.memory_space<vmem>>
      %dma_wait3A_686 = tpu.memref_squeeze %dma_wait3A_685 : memref<1x80x128xf32, #tpu.memory_space<vmem>> -> memref<80x128xf32, #tpu.memory_space<vmem>>
      %dma_wait3A_687 = arith.constant 0 : i32
      %dma_wait3A_688 = tpu.memref_slice %arg4[%add3A_681, %dma_wait3A_687] : memref<204800x128xf32, #tpu.memory_space<hbm>> -> memref<80x128xf32, #tpu.memory_space<hbm>>
      %dma_wait3A_689 = arith.constant 0 : i32
      %dma_wait3A_690 = tpu.memref_slice %arg4[%add3A_681, %dma_wait3A_689] : memref<204800x128xf32, #tpu.memory_space<hbm>> -> memref<80x128xf32, #tpu.memory_space<hbm>>
      %dma_wait3A_691 = arith.constant 0 : i32
      %dma_wait3A_692 = arith.constant 0 : i32
      %dma_wait3A_693 = tpu.memref_slice %arg6[%dma_wait3A_682, %dma_wait3A_691, %dma_wait3A_692] : memref<10x80x128xf32, #tpu.memory_space<vmem>> -> memref<1x80x128xf32, #tpu.memory_space<vmem>>
      %dma_wait3A_694 = tpu.memref_squeeze %dma_wait3A_693 : memref<1x80x128xf32, #tpu.memory_space<vmem>> -> memref<80x128xf32, #tpu.memory_space<vmem>>
      tpu.wait_dma2 semaphore(%arg21 : memref<!tpu.dma_semaphore, #tpu.memory_space<semaphore_mem>>) src(%dma_wait3A_694 : memref<80x128xf32, #tpu.memory_space<vmem>>) dst(%dma_wait3A_690 : memref<80x128xf32, #tpu.memory_space<hbm>>)
      %dma_start3A_695 = arith.constant 4 : i32
      %dma_start3A_696 = arith.constant 0 : i32
      %dma_start3A_697 = arith.constant 0 : i32
      %dma_start3A_698 = tpu.memref_slice %arg6[%dma_start3A_695, %dma_start3A_696, %dma_start3A_697] : memref<10x80x128xf32, #tpu.memory_space<vmem>> -> memref<1x80x128xf32, #tpu.memory_space<vmem>>
      %dma_start3A_699 = tpu.memref_squeeze %dma_start3A_698 : memref<1x80x128xf32, #tpu.memory_space<vmem>> -> memref<80x128xf32, #tpu.memory_space<vmem>>
      %dma_start3A_700 = arith.constant 0 : i32
      %dma_start3A_701 = tpu.memref_slice %arg5[%add3A_676, %dma_start3A_700] : memref<80x80xi32, #tpu.memory_space<vmem>> -> memref<1x80xi32, #tpu.memory_space<vmem>>
      %dma_start3A_702 = tpu.memref_squeeze %dma_start3A_701 : memref<1x80xi32, #tpu.memory_space<vmem>> -> memref<80xi32, #tpu.memory_space<vmem>>
      %dma_start3A_703 = arith.constant 0 : i32
      %dma_start3A_704 = arith.constant 0 : i32
      %dma_start3A_705 = tpu.memref_slice %arg3[%dma_start3A_703, %dma_start3A_704] : memref<100000x128xf32, #tpu.memory_space<hbm>> -> memref<100000x128xf32, #tpu.memory_space<hbm>>
      tpu.enqueue_indirect_dma source(%dma_start3A_705 : memref<100000x128xf32, #tpu.memory_space<hbm>>) target(%dma_start3A_699 : memref<80x128xf32, #tpu.memory_space<vmem>>) offsets(%dma_start3A_702 : memref<80xi32, #tpu.memory_space<vmem>>) semaphore(%arg11 : memref<!tpu.dma_semaphore, #tpu.memory_space<semaphore_mem>>)
      %add3A_706 = arith.constant 5 : i32
      %add3A_707 = arith.addi %mul3A_551, %add3A_706 : i32
      %sub3A_708 = arith.constant 10 : i32
      %sub3A_709 = arith.subi %add3A_707, %sub3A_708 : i32
      %mul3A_710 = arith.constant 80 : i32
      %mul3A_711 = arith.muli %sub3A_709, %mul3A_710 : i32
      %add3A_712 = arith.addi %mul3A_2, %mul3A_711 : i32
      %dma_wait3A_713 = arith.constant 5 : i32
      %dma_wait3A_714 = arith.constant 0 : i32
      %dma_wait3A_715 = arith.constant 0 : i32
      %dma_wait3A_716 = tpu.memref_slice %arg6[%dma_wait3A_713, %dma_wait3A_714, %dma_wait3A_715] : memref<10x80x128xf32, #tpu.memory_space<vmem>> -> memref<1x80x128xf32, #tpu.memory_space<vmem>>
      %dma_wait3A_717 = tpu.memref_squeeze %dma_wait3A_716 : memref<1x80x128xf32, #tpu.memory_space<vmem>> -> memref<80x128xf32, #tpu.memory_space<vmem>>
      %dma_wait3A_718 = arith.constant 0 : i32
      %dma_wait3A_719 = tpu.memref_slice %arg4[%add3A_712, %dma_wait3A_718] : memref<204800x128xf32, #tpu.memory_space<hbm>> -> memref<80x128xf32, #tpu.memory_space<hbm>>
      %dma_wait3A_720 = arith.constant 0 : i32
      %dma_wait3A_721 = tpu.memref_slice %arg4[%add3A_712, %dma_wait3A_720] : memref<204800x128xf32, #tpu.memory_space<hbm>> -> memref<80x128xf32, #tpu.memory_space<hbm>>
      %dma_wait3A_722 = arith.constant 0 : i32
      %dma_wait3A_723 = arith.constant 0 : i32
      %dma_wait3A_724 = tpu.memref_slice %arg6[%dma_wait3A_713, %dma_wait3A_722, %dma_wait3A_723] : memref<10x80x128xf32, #tpu.memory_space<vmem>> -> memref<1x80x128xf32, #tpu.memory_space<vmem>>
      %dma_wait3A_725 = tpu.memref_squeeze %dma_wait3A_724 : memref<1x80x128xf32, #tpu.memory_space<vmem>> -> memref<80x128xf32, #tpu.memory_space<vmem>>
      tpu.wait_dma2 semaphore(%arg22 : memref<!tpu.dma_semaphore, #tpu.memory_space<semaphore_mem>>) src(%dma_wait3A_725 : memref<80x128xf32, #tpu.memory_space<vmem>>) dst(%dma_wait3A_721 : memref<80x128xf32, #tpu.memory_space<hbm>>)
      %dma_start3A_726 = arith.constant 5 : i32
      %dma_start3A_727 = arith.constant 0 : i32
      %dma_start3A_728 = arith.constant 0 : i32
      %dma_start3A_729 = tpu.memref_slice %arg6[%dma_start3A_726, %dma_start3A_727, %dma_start3A_728] : memref<10x80x128xf32, #tpu.memory_space<vmem>> -> memref<1x80x128xf32, #tpu.memory_space<vmem>>
      %dma_start3A_730 = tpu.memref_squeeze %dma_start3A_729 : memref<1x80x128xf32, #tpu.memory_space<vmem>> -> memref<80x128xf32, #tpu.memory_space<vmem>>
      %dma_start3A_731 = arith.constant 0 : i32
      %dma_start3A_732 = tpu.memref_slice %arg5[%add3A_707, %dma_start3A_731] : memref<80x80xi32, #tpu.memory_space<vmem>> -> memref<1x80xi32, #tpu.memory_space<vmem>>
      %dma_start3A_733 = tpu.memref_squeeze %dma_start3A_732 : memref<1x80xi32, #tpu.memory_space<vmem>> -> memref<80xi32, #tpu.memory_space<vmem>>
      %dma_start3A_734 = arith.constant 0 : i32
      %dma_start3A_735 = arith.constant 0 : i32
      %dma_start3A_736 = tpu.memref_slice %arg3[%dma_start3A_734, %dma_start3A_735] : memref<100000x128xf32, #tpu.memory_space<hbm>> -> memref<100000x128xf32, #tpu.memory_space<hbm>>
      tpu.enqueue_indirect_dma source(%dma_start3A_736 : memref<100000x128xf32, #tpu.memory_space<hbm>>) target(%dma_start3A_730 : memref<80x128xf32, #tpu.memory_space<vmem>>) offsets(%dma_start3A_733 : memref<80xi32, #tpu.memory_space<vmem>>) semaphore(%arg12 : memref<!tpu.dma_semaphore, #tpu.memory_space<semaphore_mem>>)
      %add3A_737 = arith.constant 6 : i32
      %add3A_738 = arith.addi %mul3A_551, %add3A_737 : i32
      %sub3A_739 = arith.constant 10 : i32
      %sub3A_740 = arith.subi %add3A_738, %sub3A_739 : i32
      %mul3A_741 = arith.constant 80 : i32
      %mul3A_742 = arith.muli %sub3A_740, %mul3A_741 : i32
      %add3A_743 = arith.addi %mul3A_2, %mul3A_742 : i32
      %dma_wait3A_744 = arith.constant 6 : i32
      %dma_wait3A_745 = arith.constant 0 : i32
      %dma_wait3A_746 = arith.constant 0 : i32
      %dma_wait3A_747 = tpu.memref_slice %arg6[%dma_wait3A_744, %dma_wait3A_745, %dma_wait3A_746] : memref<10x80x128xf32, #tpu.memory_space<vmem>> -> memref<1x80x128xf32, #tpu.memory_space<vmem>>
      %dma_wait3A_748 = tpu.memref_squeeze %dma_wait3A_747 : memref<1x80x128xf32, #tpu.memory_space<vmem>> -> memref<80x128xf32, #tpu.memory_space<vmem>>
      %dma_wait3A_749 = arith.constant 0 : i32
      %dma_wait3A_750 = tpu.memref_slice %arg4[%add3A_743, %dma_wait3A_749] : memref<204800x128xf32, #tpu.memory_space<hbm>> -> memref<80x128xf32, #tpu.memory_space<hbm>>
      %dma_wait3A_751 = arith.constant 0 : i32
      %dma_wait3A_752 = tpu.memref_slice %arg4[%add3A_743, %dma_wait3A_751] : memref<204800x128xf32, #tpu.memory_space<hbm>> -> memref<80x128xf32, #tpu.memory_space<hbm>>
      %dma_wait3A_753 = arith.constant 0 : i32
      %dma_wait3A_754 = arith.constant 0 : i32
      %dma_wait3A_755 = tpu.memref_slice %arg6[%dma_wait3A_744, %dma_wait3A_753, %dma_wait3A_754] : memref<10x80x128xf32, #tpu.memory_space<vmem>> -> memref<1x80x128xf32, #tpu.memory_space<vmem>>
      %dma_wait3A_756 = tpu.memref_squeeze %dma_wait3A_755 : memref<1x80x128xf32, #tpu.memory_space<vmem>> -> memref<80x128xf32, #tpu.memory_space<vmem>>
      tpu.wait_dma2 semaphore(%arg23 : memref<!tpu.dma_semaphore, #tpu.memory_space<semaphore_mem>>) src(%dma_wait3A_756 : memref<80x128xf32, #tpu.memory_space<vmem>>) dst(%dma_wait3A_752 : memref<80x128xf32, #tpu.memory_space<hbm>>)
      %dma_start3A_757 = arith.constant 6 : i32
      %dma_start3A_758 = arith.constant 0 : i32
      %dma_start3A_759 = arith.constant 0 : i32
      %dma_start3A_760 = tpu.memref_slice %arg6[%dma_start3A_757, %dma_start3A_758, %dma_start3A_759] : memref<10x80x128xf32, #tpu.memory_space<vmem>> -> memref<1x80x128xf32, #tpu.memory_space<vmem>>
      %dma_start3A_761 = tpu.memref_squeeze %dma_start3A_760 : memref<1x80x128xf32, #tpu.memory_space<vmem>> -> memref<80x128xf32, #tpu.memory_space<vmem>>
      %dma_start3A_762 = arith.constant 0 : i32
      %dma_start3A_763 = tpu.memref_slice %arg5[%add3A_738, %dma_start3A_762] : memref<80x80xi32, #tpu.memory_space<vmem>> -> memref<1x80xi32, #tpu.memory_space<vmem>>
      %dma_start3A_764 = tpu.memref_squeeze %dma_start3A_763 : memref<1x80xi32, #tpu.memory_space<vmem>> -> memref<80xi32, #tpu.memory_space<vmem>>
      %dma_start3A_765 = arith.constant 0 : i32
      %dma_start3A_766 = arith.constant 0 : i32
      %dma_start3A_767 = tpu.memref_slice %arg3[%dma_start3A_765, %dma_start3A_766] : memref<100000x128xf32, #tpu.memory_space<hbm>> -> memref<100000x128xf32, #tpu.memory_space<hbm>>
      tpu.enqueue_indirect_dma source(%dma_start3A_767 : memref<100000x128xf32, #tpu.memory_space<hbm>>) target(%dma_start3A_761 : memref<80x128xf32, #tpu.memory_space<vmem>>) offsets(%dma_start3A_764 : memref<80xi32, #tpu.memory_space<vmem>>) semaphore(%arg13 : memref<!tpu.dma_semaphore, #tpu.memory_space<semaphore_mem>>)
      %add3A_768 = arith.constant 7 : i32
      %add3A_769 = arith.addi %mul3A_551, %add3A_768 : i32
      %sub3A_770 = arith.constant 10 : i32
      %sub3A_771 = arith.subi %add3A_769, %sub3A_770 : i32
      %mul3A_772 = arith.constant 80 : i32
      %mul3A_773 = arith.muli %sub3A_771, %mul3A_772 : i32
      %add3A_774 = arith.addi %mul3A_2, %mul3A_773 : i32
      %dma_wait3A_775 = arith.constant 7 : i32
      %dma_wait3A_776 = arith.constant 0 : i32
      %dma_wait3A_777 = arith.constant 0 : i32
      %dma_wait3A_778 = tpu.memref_slice %arg6[%dma_wait3A_775, %dma_wait3A_776, %dma_wait3A_777] : memref<10x80x128xf32, #tpu.memory_space<vmem>> -> memref<1x80x128xf32, #tpu.memory_space<vmem>>
      %dma_wait3A_779 = tpu.memref_squeeze %dma_wait3A_778 : memref<1x80x128xf32, #tpu.memory_space<vmem>> -> memref<80x128xf32, #tpu.memory_space<vmem>>
      %dma_wait3A_780 = arith.constant 0 : i32
      %dma_wait3A_781 = tpu.memref_slice %arg4[%add3A_774, %dma_wait3A_780] : memref<204800x128xf32, #tpu.memory_space<hbm>> -> memref<80x128xf32, #tpu.memory_space<hbm>>
      %dma_wait3A_782 = arith.constant 0 : i32
      %dma_wait3A_783 = tpu.memref_slice %arg4[%add3A_774, %dma_wait3A_782] : memref<204800x128xf32, #tpu.memory_space<hbm>> -> memref<80x128xf32, #tpu.memory_space<hbm>>
      %dma_wait3A_784 = arith.constant 0 : i32
      %dma_wait3A_785 = arith.constant 0 : i32
      %dma_wait3A_786 = tpu.memref_slice %arg6[%dma_wait3A_775, %dma_wait3A_784, %dma_wait3A_785] : memref<10x80x128xf32, #tpu.memory_space<vmem>> -> memref<1x80x128xf32, #tpu.memory_space<vmem>>
      %dma_wait3A_787 = tpu.memref_squeeze %dma_wait3A_786 : memref<1x80x128xf32, #tpu.memory_space<vmem>> -> memref<80x128xf32, #tpu.memory_space<vmem>>
      tpu.wait_dma2 semaphore(%arg24 : memref<!tpu.dma_semaphore, #tpu.memory_space<semaphore_mem>>) src(%dma_wait3A_787 : memref<80x128xf32, #tpu.memory_space<vmem>>) dst(%dma_wait3A_783 : memref<80x128xf32, #tpu.memory_space<hbm>>)
      %dma_start3A_788 = arith.constant 7 : i32
      %dma_start3A_789 = arith.constant 0 : i32
      %dma_start3A_790 = arith.constant 0 : i32
      %dma_start3A_791 = tpu.memref_slice %arg6[%dma_start3A_788, %dma_start3A_789, %dma_start3A_790] : memref<10x80x128xf32, #tpu.memory_space<vmem>> -> memref<1x80x128xf32, #tpu.memory_space<vmem>>
      %dma_start3A_792 = tpu.memref_squeeze %dma_start3A_791 : memref<1x80x128xf32, #tpu.memory_space<vmem>> -> memref<80x128xf32, #tpu.memory_space<vmem>>
      %dma_start3A_793 = arith.constant 0 : i32
      %dma_start3A_794 = tpu.memref_slice %arg5[%add3A_769, %dma_start3A_793] : memref<80x80xi32, #tpu.memory_space<vmem>> -> memref<1x80xi32, #tpu.memory_space<vmem>>
      %dma_start3A_795 = tpu.memref_squeeze %dma_start3A_794 : memref<1x80xi32, #tpu.memory_space<vmem>> -> memref<80xi32, #tpu.memory_space<vmem>>
      %dma_start3A_796 = arith.constant 0 : i32
      %dma_start3A_797 = arith.constant 0 : i32
      %dma_start3A_798 = tpu.memref_slice %arg3[%dma_start3A_796, %dma_start3A_797] : memref<100000x128xf32, #tpu.memory_space<hbm>> -> memref<100000x128xf32, #tpu.memory_space<hbm>>
      tpu.enqueue_indirect_dma source(%dma_start3A_798 : memref<100000x128xf32, #tpu.memory_space<hbm>>) target(%dma_start3A_792 : memref<80x128xf32, #tpu.memory_space<vmem>>) offsets(%dma_start3A_795 : memref<80xi32, #tpu.memory_space<vmem>>) semaphore(%arg14 : memref<!tpu.dma_semaphore, #tpu.memory_space<semaphore_mem>>)
      %add3A_799 = arith.constant 8 : i32
      %add3A_800 = arith.addi %mul3A_551, %add3A_799 : i32
      %sub3A_801 = arith.constant 10 : i32
      %sub3A_802 = arith.subi %add3A_800, %sub3A_801 : i32
      %mul3A_803 = arith.constant 80 : i32
      %mul3A_804 = arith.muli %sub3A_802, %mul3A_803 : i32
      %add3A_805 = arith.addi %mul3A_2, %mul3A_804 : i32
      %dma_wait3A_806 = arith.constant 8 : i32
      %dma_wait3A_807 = arith.constant 0 : i32
      %dma_wait3A_808 = arith.constant 0 : i32
      %dma_wait3A_809 = tpu.memref_slice %arg6[%dma_wait3A_806, %dma_wait3A_807, %dma_wait3A_808] : memref<10x80x128xf32, #tpu.memory_space<vmem>> -> memref<1x80x128xf32, #tpu.memory_space<vmem>>
      %dma_wait3A_810 = tpu.memref_squeeze %dma_wait3A_809 : memref<1x80x128xf32, #tpu.memory_space<vmem>> -> memref<80x128xf32, #tpu.memory_space<vmem>>
      %dma_wait3A_811 = arith.constant 0 : i32
      %dma_wait3A_812 = tpu.memref_slice %arg4[%add3A_805, %dma_wait3A_811] : memref<204800x128xf32, #tpu.memory_space<hbm>> -> memref<80x128xf32, #tpu.memory_space<hbm>>
      %dma_wait3A_813 = arith.constant 0 : i32
      %dma_wait3A_814 = tpu.memref_slice %arg4[%add3A_805, %dma_wait3A_813] : memref<204800x128xf32, #tpu.memory_space<hbm>> -> memref<80x128xf32, #tpu.memory_space<hbm>>
      %dma_wait3A_815 = arith.constant 0 : i32
      %dma_wait3A_816 = arith.constant 0 : i32
      %dma_wait3A_817 = tpu.memref_slice %arg6[%dma_wait3A_806, %dma_wait3A_815, %dma_wait3A_816] : memref<10x80x128xf32, #tpu.memory_space<vmem>> -> memref<1x80x128xf32, #tpu.memory_space<vmem>>
      %dma_wait3A_818 = tpu.memref_squeeze %dma_wait3A_817 : memref<1x80x128xf32, #tpu.memory_space<vmem>> -> memref<80x128xf32, #tpu.memory_space<vmem>>
      tpu.wait_dma2 semaphore(%arg25 : memref<!tpu.dma_semaphore, #tpu.memory_space<semaphore_mem>>) src(%dma_wait3A_818 : memref<80x128xf32, #tpu.memory_space<vmem>>) dst(%dma_wait3A_814 : memref<80x128xf32, #tpu.memory_space<hbm>>)
      %dma_start3A_819 = arith.constant 8 : i32
      %dma_start3A_820 = arith.constant 0 : i32
      %dma_start3A_821 = arith.constant 0 : i32
      %dma_start3A_822 = tpu.memref_slice %arg6[%dma_start3A_819, %dma_start3A_820, %dma_start3A_821] : memref<10x80x128xf32, #tpu.memory_space<vmem>> -> memref<1x80x128xf32, #tpu.memory_space<vmem>>
      %dma_start3A_823 = tpu.memref_squeeze %dma_start3A_822 : memref<1x80x128xf32, #tpu.memory_space<vmem>> -> memref<80x128xf32, #tpu.memory_space<vmem>>
      %dma_start3A_824 = arith.constant 0 : i32
      %dma_start3A_825 = tpu.memref_slice %arg5[%add3A_800, %dma_start3A_824] : memref<80x80xi32, #tpu.memory_space<vmem>> -> memref<1x80xi32, #tpu.memory_space<vmem>>
      %dma_start3A_826 = tpu.memref_squeeze %dma_start3A_825 : memref<1x80xi32, #tpu.memory_space<vmem>> -> memref<80xi32, #tpu.memory_space<vmem>>
      %dma_start3A_827 = arith.constant 0 : i32
      %dma_start3A_828 = arith.constant 0 : i32
      %dma_start3A_829 = tpu.memref_slice %arg3[%dma_start3A_827, %dma_start3A_828] : memref<100000x128xf32, #tpu.memory_space<hbm>> -> memref<100000x128xf32, #tpu.memory_space<hbm>>
      tpu.enqueue_indirect_dma source(%dma_start3A_829 : memref<100000x128xf32, #tpu.memory_space<hbm>>) target(%dma_start3A_823 : memref<80x128xf32, #tpu.memory_space<vmem>>) offsets(%dma_start3A_826 : memref<80xi32, #tpu.memory_space<vmem>>) semaphore(%arg15 : memref<!tpu.dma_semaphore, #tpu.memory_space<semaphore_mem>>)
      %add3A_830 = arith.constant 9 : i32
      %add3A_831 = arith.addi %mul3A_551, %add3A_830 : i32
      %sub3A_832 = arith.constant 10 : i32
      %sub3A_833 = arith.subi %add3A_831, %sub3A_832 : i32
      %mul3A_834 = arith.constant 80 : i32
      %mul3A_835 = arith.muli %sub3A_833, %mul3A_834 : i32
      %add3A_836 = arith.addi %mul3A_2, %mul3A_835 : i32
      %dma_wait3A_837 = arith.constant 9 : i32
      %dma_wait3A_838 = arith.constant 0 : i32
      %dma_wait3A_839 = arith.constant 0 : i32
      %dma_wait3A_840 = tpu.memref_slice %arg6[%dma_wait3A_837, %dma_wait3A_838, %dma_wait3A_839] : memref<10x80x128xf32, #tpu.memory_space<vmem>> -> memref<1x80x128xf32, #tpu.memory_space<vmem>>
      %dma_wait3A_841 = tpu.memref_squeeze %dma_wait3A_840 : memref<1x80x128xf32, #tpu.memory_space<vmem>> -> memref<80x128xf32, #tpu.memory_space<vmem>>
      %dma_wait3A_842 = arith.constant 0 : i32
      %dma_wait3A_843 = tpu.memref_slice %arg4[%add3A_836, %dma_wait3A_842] : memref<204800x128xf32, #tpu.memory_space<hbm>> -> memref<80x128xf32, #tpu.memory_space<hbm>>
      %dma_wait3A_844 = arith.constant 0 : i32
      %dma_wait3A_845 = tpu.memref_slice %arg4[%add3A_836, %dma_wait3A_844] : memref<204800x128xf32, #tpu.memory_space<hbm>> -> memref<80x128xf32, #tpu.memory_space<hbm>>
      %dma_wait3A_846 = arith.constant 0 : i32
      %dma_wait3A_847 = arith.constant 0 : i32
      %dma_wait3A_848 = tpu.memref_slice %arg6[%dma_wait3A_837, %dma_wait3A_846, %dma_wait3A_847] : memref<10x80x128xf32, #tpu.memory_space<vmem>> -> memref<1x80x128xf32, #tpu.memory_space<vmem>>
      %dma_wait3A_849 = tpu.memref_squeeze %dma_wait3A_848 : memref<1x80x128xf32, #tpu.memory_space<vmem>> -> memref<80x128xf32, #tpu.memory_space<vmem>>
      tpu.wait_dma2 semaphore(%arg26 : memref<!tpu.dma_semaphore, #tpu.memory_space<semaphore_mem>>) src(%dma_wait3A_849 : memref<80x128xf32, #tpu.memory_space<vmem>>) dst(%dma_wait3A_845 : memref<80x128xf32, #tpu.memory_space<hbm>>)
      %dma_start3A_850 = arith.constant 9 : i32
      %dma_start3A_851 = arith.constant 0 : i32
      %dma_start3A_852 = arith.constant 0 : i32
      %dma_start3A_853 = tpu.memref_slice %arg6[%dma_start3A_850, %dma_start3A_851, %dma_start3A_852] : memref<10x80x128xf32, #tpu.memory_space<vmem>> -> memref<1x80x128xf32, #tpu.memory_space<vmem>>
      %dma_start3A_854 = tpu.memref_squeeze %dma_start3A_853 : memref<1x80x128xf32, #tpu.memory_space<vmem>> -> memref<80x128xf32, #tpu.memory_space<vmem>>
      %dma_start3A_855 = arith.constant 0 : i32
      %dma_start3A_856 = tpu.memref_slice %arg5[%add3A_831, %dma_start3A_855] : memref<80x80xi32, #tpu.memory_space<vmem>> -> memref<1x80xi32, #tpu.memory_space<vmem>>
      %dma_start3A_857 = tpu.memref_squeeze %dma_start3A_856 : memref<1x80xi32, #tpu.memory_space<vmem>> -> memref<80xi32, #tpu.memory_space<vmem>>
      %dma_start3A_858 = arith.constant 0 : i32
      %dma_start3A_859 = arith.constant 0 : i32
      %dma_start3A_860 = tpu.memref_slice %arg3[%dma_start3A_858, %dma_start3A_859] : memref<100000x128xf32, #tpu.memory_space<hbm>> -> memref<100000x128xf32, #tpu.memory_space<hbm>>
      tpu.enqueue_indirect_dma source(%dma_start3A_860 : memref<100000x128xf32, #tpu.memory_space<hbm>>) target(%dma_start3A_854 : memref<80x128xf32, #tpu.memory_space<vmem>>) offsets(%dma_start3A_857 : memref<80xi32, #tpu.memory_space<vmem>>) semaphore(%arg16 : memref<!tpu.dma_semaphore, #tpu.memory_space<semaphore_mem>>)
      %add3A_861 = arith.constant 0 : i32
      %add3A_862 = arith.addi %mul3A_551, %add3A_861 : i32
      %dma_wait3A_863 = arith.constant 0 : i32
      %dma_wait3A_864 = arith.constant 0 : i32
      %dma_wait3A_865 = arith.constant 0 : i32
      %dma_wait3A_866 = tpu.memref_slice %arg6[%dma_wait3A_863, %dma_wait3A_864, %dma_wait3A_865] : memref<10x80x128xf32, #tpu.memory_space<vmem>> -> memref<1x80x128xf32, #tpu.memory_space<vmem>>
      %dma_wait3A_867 = tpu.memref_squeeze %dma_wait3A_866 : memref<1x80x128xf32, #tpu.memory_space<vmem>> -> memref<80x128xf32, #tpu.memory_space<vmem>>
      %dma_wait3A_868 = arith.constant 0 : i32
      %dma_wait3A_869 = tpu.memref_slice %arg5[%add3A_862, %dma_wait3A_868] : memref<80x80xi32, #tpu.memory_space<vmem>> -> memref<1x80xi32, #tpu.memory_space<vmem>>
      %dma_wait3A_870 = tpu.memref_squeeze %dma_wait3A_869 : memref<1x80xi32, #tpu.memory_space<vmem>> -> memref<80xi32, #tpu.memory_space<vmem>>
      %dma_wait3A_871 = arith.constant 0 : i32
      %dma_wait3A_872 = arith.constant 0 : i32
      %dma_wait3A_873 = tpu.memref_slice %arg3[%dma_wait3A_871, %dma_wait3A_872] : memref<100000x128xf32, #tpu.memory_space<hbm>> -> memref<100000x128xf32, #tpu.memory_space<hbm>>
      tpu.wait_indirect_dma semaphore(%arg7 : memref<!tpu.dma_semaphore, #tpu.memory_space<semaphore_mem>>) src(%dma_wait3A_873 : memref<100000x128xf32, #tpu.memory_space<hbm>>) dst(%dma_wait3A_867 : memref<80x128xf32, #tpu.memory_space<vmem>>)
      %mul3A_874 = arith.constant 80 : i32
      %mul3A_875 = arith.muli %add3A_862, %mul3A_874 : i32
      %add3A_876 = arith.addi %mul3A_2, %mul3A_875 : i32
      %dma_start3A_877 = arith.constant 0 : i32
      %dma_start3A_878 = arith.constant 0 : i32
      %dma_start3A_879 = arith.constant 0 : i32
      %dma_start3A_880 = tpu.memref_slice %arg6[%dma_start3A_877, %dma_start3A_878, %dma_start3A_879] : memref<10x80x128xf32, #tpu.memory_space<vmem>> -> memref<1x80x128xf32, #tpu.memory_space<vmem>>
      %dma_start3A_881 = tpu.memref_squeeze %dma_start3A_880 : memref<1x80x128xf32, #tpu.memory_space<vmem>> -> memref<80x128xf32, #tpu.memory_space<vmem>>
      %dma_start3A_882 = arith.constant 0 : i32
      %dma_start3A_883 = tpu.memref_slice %arg4[%add3A_876, %dma_start3A_882] : memref<204800x128xf32, #tpu.memory_space<hbm>> -> memref<80x128xf32, #tpu.memory_space<hbm>>
      %dma_start3A_884 = arith.constant 0 : i32
      %dma_start3A_885 = tpu.memref_slice %arg4[%add3A_876, %dma_start3A_884] : memref<204800x128xf32, #tpu.memory_space<hbm>> -> memref<80x128xf32, #tpu.memory_space<hbm>>
      %dma_start3A_886 = arith.constant 0 : i32
      %dma_start3A_887 = arith.constant 0 : i32
      %dma_start3A_888 = tpu.memref_slice %arg6[%dma_start3A_877, %dma_start3A_886, %dma_start3A_887] : memref<10x80x128xf32, #tpu.memory_space<vmem>> -> memref<1x80x128xf32, #tpu.memory_space<vmem>>
      %dma_start3A_889 = tpu.memref_squeeze %dma_start3A_888 : memref<1x80x128xf32, #tpu.memory_space<vmem>> -> memref<80x128xf32, #tpu.memory_space<vmem>>
      tpu.enqueue_dma source(%dma_start3A_889 : memref<80x128xf32, #tpu.memory_space<vmem>>) target(%dma_start3A_885 : memref<80x128xf32, #tpu.memory_space<hbm>>) target_semaphore(%arg17 : memref<!tpu.dma_semaphore, #tpu.memory_space<semaphore_mem>>)
      %add3A_890 = arith.constant 1 : i32
      %add3A_891 = arith.addi %mul3A_551, %add3A_890 : i32
      %dma_wait3A_892 = arith.constant 1 : i32
      %dma_wait3A_893 = arith.constant 0 : i32
      %dma_wait3A_894 = arith.constant 0 : i32
      %dma_wait3A_895 = tpu.memref_slice %arg6[%dma_wait3A_892, %dma_wait3A_893, %dma_wait3A_894] : memref<10x80x128xf32, #tpu.memory_space<vmem>> -> memref<1x80x128xf32, #tpu.memory_space<vmem>>
      %dma_wait3A_896 = tpu.memref_squeeze %dma_wait3A_895 : memref<1x80x128xf32, #tpu.memory_space<vmem>> -> memref<80x128xf32, #tpu.memory_space<vmem>>
      %dma_wait3A_897 = arith.constant 0 : i32
      %dma_wait3A_898 = tpu.memref_slice %arg5[%add3A_891, %dma_wait3A_897] : memref<80x80xi32, #tpu.memory_space<vmem>> -> memref<1x80xi32, #tpu.memory_space<vmem>>
      %dma_wait3A_899 = tpu.memref_squeeze %dma_wait3A_898 : memref<1x80xi32, #tpu.memory_space<vmem>> -> memref<80xi32, #tpu.memory_space<vmem>>
      %dma_wait3A_900 = arith.constant 0 : i32
      %dma_wait3A_901 = arith.constant 0 : i32
      %dma_wait3A_902 = tpu.memref_slice %arg3[%dma_wait3A_900, %dma_wait3A_901] : memref<100000x128xf32, #tpu.memory_space<hbm>> -> memref<100000x128xf32, #tpu.memory_space<hbm>>
      tpu.wait_indirect_dma semaphore(%arg8 : memref<!tpu.dma_semaphore, #tpu.memory_space<semaphore_mem>>) src(%dma_wait3A_902 : memref<100000x128xf32, #tpu.memory_space<hbm>>) dst(%dma_wait3A_896 : memref<80x128xf32, #tpu.memory_space<vmem>>)
      %mul3A_903 = arith.constant 80 : i32
      %mul3A_904 = arith.muli %add3A_891, %mul3A_903 : i32
      %add3A_905 = arith.addi %mul3A_2, %mul3A_904 : i32
      %dma_start3A_906 = arith.constant 1 : i32
      %dma_start3A_907 = arith.constant 0 : i32
      %dma_start3A_908 = arith.constant 0 : i32
      %dma_start3A_909 = tpu.memref_slice %arg6[%dma_start3A_906, %dma_start3A_907, %dma_start3A_908] : memref<10x80x128xf32, #tpu.memory_space<vmem>> -> memref<1x80x128xf32, #tpu.memory_space<vmem>>
      %dma_start3A_910 = tpu.memref_squeeze %dma_start3A_909 : memref<1x80x128xf32, #tpu.memory_space<vmem>> -> memref<80x128xf32, #tpu.memory_space<vmem>>
      %dma_start3A_911 = arith.constant 0 : i32
      %dma_start3A_912 = tpu.memref_slice %arg4[%add3A_905, %dma_start3A_911] : memref<204800x128xf32, #tpu.memory_space<hbm>> -> memref<80x128xf32, #tpu.memory_space<hbm>>
      %dma_start3A_913 = arith.constant 0 : i32
      %dma_start3A_914 = tpu.memref_slice %arg4[%add3A_905, %dma_start3A_913] : memref<204800x128xf32, #tpu.memory_space<hbm>> -> memref<80x128xf32, #tpu.memory_space<hbm>>
      %dma_start3A_915 = arith.constant 0 : i32
      %dma_start3A_916 = arith.constant 0 : i32
      %dma_start3A_917 = tpu.memref_slice %arg6[%dma_start3A_906, %dma_start3A_915, %dma_start3A_916] : memref<10x80x128xf32, #tpu.memory_space<vmem>> -> memref<1x80x128xf32, #tpu.memory_space<vmem>>
      %dma_start3A_918 = tpu.memref_squeeze %dma_start3A_917 : memref<1x80x128xf32, #tpu.memory_space<vmem>> -> memref<80x128xf32, #tpu.memory_space<vmem>>
      tpu.enqueue_dma source(%dma_start3A_918 : memref<80x128xf32, #tpu.memory_space<vmem>>) target(%dma_start3A_914 : memref<80x128xf32, #tpu.memory_space<hbm>>) target_semaphore(%arg18 : memref<!tpu.dma_semaphore, #tpu.memory_space<semaphore_mem>>)
      %add3A_919 = arith.constant 2 : i32
      %add3A_920 = arith.addi %mul3A_551, %add3A_919 : i32
      %dma_wait3A_921 = arith.constant 2 : i32
      %dma_wait3A_922 = arith.constant 0 : i32
      %dma_wait3A_923 = arith.constant 0 : i32
      %dma_wait3A_924 = tpu.memref_slice %arg6[%dma_wait3A_921, %dma_wait3A_922, %dma_wait3A_923] : memref<10x80x128xf32, #tpu.memory_space<vmem>> -> memref<1x80x128xf32, #tpu.memory_space<vmem>>
      %dma_wait3A_925 = tpu.memref_squeeze %dma_wait3A_924 : memref<1x80x128xf32, #tpu.memory_space<vmem>> -> memref<80x128xf32, #tpu.memory_space<vmem>>
      %dma_wait3A_926 = arith.constant 0 : i32
      %dma_wait3A_927 = tpu.memref_slice %arg5[%add3A_920, %dma_wait3A_926] : memref<80x80xi32, #tpu.memory_space<vmem>> -> memref<1x80xi32, #tpu.memory_space<vmem>>
      %dma_wait3A_928 = tpu.memref_squeeze %dma_wait3A_927 : memref<1x80xi32, #tpu.memory_space<vmem>> -> memref<80xi32, #tpu.memory_space<vmem>>
      %dma_wait3A_929 = arith.constant 0 : i32
      %dma_wait3A_930 = arith.constant 0 : i32
      %dma_wait3A_931 = tpu.memref_slice %arg3[%dma_wait3A_929, %dma_wait3A_930] : memref<100000x128xf32, #tpu.memory_space<hbm>> -> memref<100000x128xf32, #tpu.memory_space<hbm>>
      tpu.wait_indirect_dma semaphore(%arg9 : memref<!tpu.dma_semaphore, #tpu.memory_space<semaphore_mem>>) src(%dma_wait3A_931 : memref<100000x128xf32, #tpu.memory_space<hbm>>) dst(%dma_wait3A_925 : memref<80x128xf32, #tpu.memory_space<vmem>>)
      %mul3A_932 = arith.constant 80 : i32
      %mul3A_933 = arith.muli %add3A_920, %mul3A_932 : i32
      %add3A_934 = arith.addi %mul3A_2, %mul3A_933 : i32
      %dma_start3A_935 = arith.constant 2 : i32
      %dma_start3A_936 = arith.constant 0 : i32
      %dma_start3A_937 = arith.constant 0 : i32
      %dma_start3A_938 = tpu.memref_slice %arg6[%dma_start3A_935, %dma_start3A_936, %dma_start3A_937] : memref<10x80x128xf32, #tpu.memory_space<vmem>> -> memref<1x80x128xf32, #tpu.memory_space<vmem>>
      %dma_start3A_939 = tpu.memref_squeeze %dma_start3A_938 : memref<1x80x128xf32, #tpu.memory_space<vmem>> -> memref<80x128xf32, #tpu.memory_space<vmem>>
      %dma_start3A_940 = arith.constant 0 : i32
      %dma_start3A_941 = tpu.memref_slice %arg4[%add3A_934, %dma_start3A_940] : memref<204800x128xf32, #tpu.memory_space<hbm>> -> memref<80x128xf32, #tpu.memory_space<hbm>>
      %dma_start3A_942 = arith.constant 0 : i32
      %dma_start3A_943 = tpu.memref_slice %arg4[%add3A_934, %dma_start3A_942] : memref<204800x128xf32, #tpu.memory_space<hbm>> -> memref<80x128xf32, #tpu.memory_space<hbm>>
      %dma_start3A_944 = arith.constant 0 : i32
      %dma_start3A_945 = arith.constant 0 : i32
      %dma_start3A_946 = tpu.memref_slice %arg6[%dma_start3A_935, %dma_start3A_944, %dma_start3A_945] : memref<10x80x128xf32, #tpu.memory_space<vmem>> -> memref<1x80x128xf32, #tpu.memory_space<vmem>>
      %dma_start3A_947 = tpu.memref_squeeze %dma_start3A_946 : memref<1x80x128xf32, #tpu.memory_space<vmem>> -> memref<80x128xf32, #tpu.memory_space<vmem>>
      tpu.enqueue_dma source(%dma_start3A_947 : memref<80x128xf32, #tpu.memory_space<vmem>>) target(%dma_start3A_943 : memref<80x128xf32, #tpu.memory_space<hbm>>) target_semaphore(%arg19 : memref<!tpu.dma_semaphore, #tpu.memory_space<semaphore_mem>>)
      %add3A_948 = arith.constant 3 : i32
      %add3A_949 = arith.addi %mul3A_551, %add3A_948 : i32
      %dma_wait3A_950 = arith.constant 3 : i32
      %dma_wait3A_951 = arith.constant 0 : i32
      %dma_wait3A_952 = arith.constant 0 : i32
      %dma_wait3A_953 = tpu.memref_slice %arg6[%dma_wait3A_950, %dma_wait3A_951, %dma_wait3A_952] : memref<10x80x128xf32, #tpu.memory_space<vmem>> -> memref<1x80x128xf32, #tpu.memory_space<vmem>>
      %dma_wait3A_954 = tpu.memref_squeeze %dma_wait3A_953 : memref<1x80x128xf32, #tpu.memory_space<vmem>> -> memref<80x128xf32, #tpu.memory_space<vmem>>
      %dma_wait3A_955 = arith.constant 0 : i32
      %dma_wait3A_956 = tpu.memref_slice %arg5[%add3A_949, %dma_wait3A_955] : memref<80x80xi32, #tpu.memory_space<vmem>> -> memref<1x80xi32, #tpu.memory_space<vmem>>
      %dma_wait3A_957 = tpu.memref_squeeze %dma_wait3A_956 : memref<1x80xi32, #tpu.memory_space<vmem>> -> memref<80xi32, #tpu.memory_space<vmem>>
      %dma_wait3A_958 = arith.constant 0 : i32
      %dma_wait3A_959 = arith.constant 0 : i32
      %dma_wait3A_960 = tpu.memref_slice %arg3[%dma_wait3A_958, %dma_wait3A_959] : memref<100000x128xf32, #tpu.memory_space<hbm>> -> memref<100000x128xf32, #tpu.memory_space<hbm>>
      tpu.wait_indirect_dma semaphore(%arg10 : memref<!tpu.dma_semaphore, #tpu.memory_space<semaphore_mem>>) src(%dma_wait3A_960 : memref<100000x128xf32, #tpu.memory_space<hbm>>) dst(%dma_wait3A_954 : memref<80x128xf32, #tpu.memory_space<vmem>>)
      %mul3A_961 = arith.constant 80 : i32
      %mul3A_962 = arith.muli %add3A_949, %mul3A_961 : i32
      %add3A_963 = arith.addi %mul3A_2, %mul3A_962 : i32
      %dma_start3A_964 = arith.constant 3 : i32
      %dma_start3A_965 = arith.constant 0 : i32
      %dma_start3A_966 = arith.constant 0 : i32
      %dma_start3A_967 = tpu.memref_slice %arg6[%dma_start3A_964, %dma_start3A_965, %dma_start3A_966] : memref<10x80x128xf32, #tpu.memory_space<vmem>> -> memref<1x80x128xf32, #tpu.memory_space<vmem>>
      %dma_start3A_968 = tpu.memref_squeeze %dma_start3A_967 : memref<1x80x128xf32, #tpu.memory_space<vmem>> -> memref<80x128xf32, #tpu.memory_space<vmem>>
      %dma_start3A_969 = arith.constant 0 : i32
      %dma_start3A_970 = tpu.memref_slice %arg4[%add3A_963, %dma_start3A_969] : memref<204800x128xf32, #tpu.memory_space<hbm>> -> memref<80x128xf32, #tpu.memory_space<hbm>>
      %dma_start3A_971 = arith.constant 0 : i32
      %dma_start3A_972 = tpu.memref_slice %arg4[%add3A_963, %dma_start3A_971] : memref<204800x128xf32, #tpu.memory_space<hbm>> -> memref<80x128xf32, #tpu.memory_space<hbm>>
      %dma_start3A_973 = arith.constant 0 : i32
      %dma_start3A_974 = arith.constant 0 : i32
      %dma_start3A_975 = tpu.memref_slice %arg6[%dma_start3A_964, %dma_start3A_973, %dma_start3A_974] : memref<10x80x128xf32, #tpu.memory_space<vmem>> -> memref<1x80x128xf32, #tpu.memory_space<vmem>>
      %dma_start3A_976 = tpu.memref_squeeze %dma_start3A_975 : memref<1x80x128xf32, #tpu.memory_space<vmem>> -> memref<80x128xf32, #tpu.memory_space<vmem>>
      tpu.enqueue_dma source(%dma_start3A_976 : memref<80x128xf32, #tpu.memory_space<vmem>>) target(%dma_start3A_972 : memref<80x128xf32, #tpu.memory_space<hbm>>) target_semaphore(%arg20 : memref<!tpu.dma_semaphore, #tpu.memory_space<semaphore_mem>>)
      %add3A_977 = arith.constant 4 : i32
      %add3A_978 = arith.addi %mul3A_551, %add3A_977 : i32
      %dma_wait3A_979 = arith.constant 4 : i32
      %dma_wait3A_980 = arith.constant 0 : i32
      %dma_wait3A_981 = arith.constant 0 : i32
      %dma_wait3A_982 = tpu.memref_slice %arg6[%dma_wait3A_979, %dma_wait3A_980, %dma_wait3A_981] : memref<10x80x128xf32, #tpu.memory_space<vmem>> -> memref<1x80x128xf32, #tpu.memory_space<vmem>>
      %dma_wait3A_983 = tpu.memref_squeeze %dma_wait3A_982 : memref<1x80x128xf32, #tpu.memory_space<vmem>> -> memref<80x128xf32, #tpu.memory_space<vmem>>
      %dma_wait3A_984 = arith.constant 0 : i32
      %dma_wait3A_985 = tpu.memref_slice %arg5[%add3A_978, %dma_wait3A_984] : memref<80x80xi32, #tpu.memory_space<vmem>> -> memref<1x80xi32, #tpu.memory_space<vmem>>
      %dma_wait3A_986 = tpu.memref_squeeze %dma_wait3A_985 : memref<1x80xi32, #tpu.memory_space<vmem>> -> memref<80xi32, #tpu.memory_space<vmem>>
      %dma_wait3A_987 = arith.constant 0 : i32
      %dma_wait3A_988 = arith.constant 0 : i32
      %dma_wait3A_989 = tpu.memref_slice %arg3[%dma_wait3A_987, %dma_wait3A_988] : memref<100000x128xf32, #tpu.memory_space<hbm>> -> memref<100000x128xf32, #tpu.memory_space<hbm>>
      tpu.wait_indirect_dma semaphore(%arg11 : memref<!tpu.dma_semaphore, #tpu.memory_space<semaphore_mem>>) src(%dma_wait3A_989 : memref<100000x128xf32, #tpu.memory_space<hbm>>) dst(%dma_wait3A_983 : memref<80x128xf32, #tpu.memory_space<vmem>>)
      %mul3A_990 = arith.constant 80 : i32
      %mul3A_991 = arith.muli %add3A_978, %mul3A_990 : i32
      %add3A_992 = arith.addi %mul3A_2, %mul3A_991 : i32
      %dma_start3A_993 = arith.constant 4 : i32
      %dma_start3A_994 = arith.constant 0 : i32
      %dma_start3A_995 = arith.constant 0 : i32
      %dma_start3A_996 = tpu.memref_slice %arg6[%dma_start3A_993, %dma_start3A_994, %dma_start3A_995] : memref<10x80x128xf32, #tpu.memory_space<vmem>> -> memref<1x80x128xf32, #tpu.memory_space<vmem>>
      %dma_start3A_997 = tpu.memref_squeeze %dma_start3A_996 : memref<1x80x128xf32, #tpu.memory_space<vmem>> -> memref<80x128xf32, #tpu.memory_space<vmem>>
      %dma_start3A_998 = arith.constant 0 : i32
      %dma_start3A_999 = tpu.memref_slice %arg4[%add3A_992, %dma_start3A_998] : memref<204800x128xf32, #tpu.memory_space<hbm>> -> memref<80x128xf32, #tpu.memory_space<hbm>>
      %dma_start3A_1000 = arith.constant 0 : i32
      %dma_start3A_1001 = tpu.memref_slice %arg4[%add3A_992, %dma_start3A_1000] : memref<204800x128xf32, #tpu.memory_space<hbm>> -> memref<80x128xf32, #tpu.memory_space<hbm>>
      %dma_start3A_1002 = arith.constant 0 : i32
      %dma_start3A_1003 = arith.constant 0 : i32
      %dma_start3A_1004 = tpu.memref_slice %arg6[%dma_start3A_993, %dma_start3A_1002, %dma_start3A_1003] : memref<10x80x128xf32, #tpu.memory_space<vmem>> -> memref<1x80x128xf32, #tpu.memory_space<vmem>>
      %dma_start3A_1005 = tpu.memref_squeeze %dma_start3A_1004 : memref<1x80x128xf32, #tpu.memory_space<vmem>> -> memref<80x128xf32, #tpu.memory_space<vmem>>
      tpu.enqueue_dma source(%dma_start3A_1005 : memref<80x128xf32, #tpu.memory_space<vmem>>) target(%dma_start3A_1001 : memref<80x128xf32, #tpu.memory_space<hbm>>) target_semaphore(%arg21 : memref<!tpu.dma_semaphore, #tpu.memory_space<semaphore_mem>>)
      %add3A_1006 = arith.constant 5 : i32
      %add3A_1007 = arith.addi %mul3A_551, %add3A_1006 : i32
      %dma_wait3A_1008 = arith.constant 5 : i32
      %dma_wait3A_1009 = arith.constant 0 : i32
      %dma_wait3A_1010 = arith.constant 0 : i32
      %dma_wait3A_1011 = tpu.memref_slice %arg6[%dma_wait3A_1008, %dma_wait3A_1009, %dma_wait3A_1010] : memref<10x80x128xf32, #tpu.memory_space<vmem>> -> memref<1x80x128xf32, #tpu.memory_space<vmem>>
      %dma_wait3A_1012 = tpu.memref_squeeze %dma_wait3A_1011 : memref<1x80x128xf32, #tpu.memory_space<vmem>> -> memref<80x128xf32, #tpu.memory_space<vmem>>
      %dma_wait3A_1013 = arith.constant 0 : i32
      %dma_wait3A_1014 = tpu.memref_slice %arg5[%add3A_1007, %dma_wait3A_1013] : memref<80x80xi32, #tpu.memory_space<vmem>> -> memref<1x80xi32, #tpu.memory_space<vmem>>
      %dma_wait3A_1015 = tpu.memref_squeeze %dma_wait3A_1014 : memref<1x80xi32, #tpu.memory_space<vmem>> -> memref<80xi32, #tpu.memory_space<vmem>>
      %dma_wait3A_1016 = arith.constant 0 : i32
      %dma_wait3A_1017 = arith.constant 0 : i32
      %dma_wait3A_1018 = tpu.memref_slice %arg3[%dma_wait3A_1016, %dma_wait3A_1017] : memref<100000x128xf32, #tpu.memory_space<hbm>> -> memref<100000x128xf32, #tpu.memory_space<hbm>>
      tpu.wait_indirect_dma semaphore(%arg12 : memref<!tpu.dma_semaphore, #tpu.memory_space<semaphore_mem>>) src(%dma_wait3A_1018 : memref<100000x128xf32, #tpu.memory_space<hbm>>) dst(%dma_wait3A_1012 : memref<80x128xf32, #tpu.memory_space<vmem>>)
      %mul3A_1019 = arith.constant 80 : i32
      %mul3A_1020 = arith.muli %add3A_1007, %mul3A_1019 : i32
      %add3A_1021 = arith.addi %mul3A_2, %mul3A_1020 : i32
      %dma_start3A_1022 = arith.constant 5 : i32
      %dma_start3A_1023 = arith.constant 0 : i32
      %dma_start3A_1024 = arith.constant 0 : i32
      %dma_start3A_1025 = tpu.memref_slice %arg6[%dma_start3A_1022, %dma_start3A_1023, %dma_start3A_1024] : memref<10x80x128xf32, #tpu.memory_space<vmem>> -> memref<1x80x128xf32, #tpu.memory_space<vmem>>
      %dma_start3A_1026 = tpu.memref_squeeze %dma_start3A_1025 : memref<1x80x128xf32, #tpu.memory_space<vmem>> -> memref<80x128xf32, #tpu.memory_space<vmem>>
      %dma_start3A_1027 = arith.constant 0 : i32
      %dma_start3A_1028 = tpu.memref_slice %arg4[%add3A_1021, %dma_start3A_1027] : memref<204800x128xf32, #tpu.memory_space<hbm>> -> memref<80x128xf32, #tpu.memory_space<hbm>>
      %dma_start3A_1029 = arith.constant 0 : i32
      %dma_start3A_1030 = tpu.memref_slice %arg4[%add3A_1021, %dma_start3A_1029] : memref<204800x128xf32, #tpu.memory_space<hbm>> -> memref<80x128xf32, #tpu.memory_space<hbm>>
      %dma_start3A_1031 = arith.constant 0 : i32
      %dma_start3A_1032 = arith.constant 0 : i32
      %dma_start3A_1033 = tpu.memref_slice %arg6[%dma_start3A_1022, %dma_start3A_1031, %dma_start3A_1032] : memref<10x80x128xf32, #tpu.memory_space<vmem>> -> memref<1x80x128xf32, #tpu.memory_space<vmem>>
      %dma_start3A_1034 = tpu.memref_squeeze %dma_start3A_1033 : memref<1x80x128xf32, #tpu.memory_space<vmem>> -> memref<80x128xf32, #tpu.memory_space<vmem>>
      tpu.enqueue_dma source(%dma_start3A_1034 : memref<80x128xf32, #tpu.memory_space<vmem>>) target(%dma_start3A_1030 : memref<80x128xf32, #tpu.memory_space<hbm>>) target_semaphore(%arg22 : memref<!tpu.dma_semaphore, #tpu.memory_space<semaphore_mem>>)
      %add3A_1035 = arith.constant 6 : i32
      %add3A_1036 = arith.addi %mul3A_551, %add3A_1035 : i32
      %dma_wait3A_1037 = arith.constant 6 : i32
      %dma_wait3A_1038 = arith.constant 0 : i32
      %dma_wait3A_1039 = arith.constant 0 : i32
      %dma_wait3A_1040 = tpu.memref_slice %arg6[%dma_wait3A_1037, %dma_wait3A_1038, %dma_wait3A_1039] : memref<10x80x128xf32, #tpu.memory_space<vmem>> -> memref<1x80x128xf32, #tpu.memory_space<vmem>>
      %dma_wait3A_1041 = tpu.memref_squeeze %dma_wait3A_1040 : memref<1x80x128xf32, #tpu.memory_space<vmem>> -> memref<80x128xf32, #tpu.memory_space<vmem>>
      %dma_wait3A_1042 = arith.constant 0 : i32
      %dma_wait3A_1043 = tpu.memref_slice %arg5[%add3A_1036, %dma_wait3A_1042] : memref<80x80xi32, #tpu.memory_space<vmem>> -> memref<1x80xi32, #tpu.memory_space<vmem>>
      %dma_wait3A_1044 = tpu.memref_squeeze %dma_wait3A_1043 : memref<1x80xi32, #tpu.memory_space<vmem>> -> memref<80xi32, #tpu.memory_space<vmem>>
      %dma_wait3A_1045 = arith.constant 0 : i32
      %dma_wait3A_1046 = arith.constant 0 : i32
      %dma_wait3A_1047 = tpu.memref_slice %arg3[%dma_wait3A_1045, %dma_wait3A_1046] : memref<100000x128xf32, #tpu.memory_space<hbm>> -> memref<100000x128xf32, #tpu.memory_space<hbm>>
      tpu.wait_indirect_dma semaphore(%arg13 : memref<!tpu.dma_semaphore, #tpu.memory_space<semaphore_mem>>) src(%dma_wait3A_1047 : memref<100000x128xf32, #tpu.memory_space<hbm>>) dst(%dma_wait3A_1041 : memref<80x128xf32, #tpu.memory_space<vmem>>)
      %mul3A_1048 = arith.constant 80 : i32
      %mul3A_1049 = arith.muli %add3A_1036, %mul3A_1048 : i32
      %add3A_1050 = arith.addi %mul3A_2, %mul3A_1049 : i32
      %dma_start3A_1051 = arith.constant 6 : i32
      %dma_start3A_1052 = arith.constant 0 : i32
      %dma_start3A_1053 = arith.constant 0 : i32
      %dma_start3A_1054 = tpu.memref_slice %arg6[%dma_start3A_1051, %dma_start3A_1052, %dma_start3A_1053] : memref<10x80x128xf32, #tpu.memory_space<vmem>> -> memref<1x80x128xf32, #tpu.memory_space<vmem>>
      %dma_start3A_1055 = tpu.memref_squeeze %dma_start3A_1054 : memref<1x80x128xf32, #tpu.memory_space<vmem>> -> memref<80x128xf32, #tpu.memory_space<vmem>>
      %dma_start3A_1056 = arith.constant 0 : i32
      %dma_start3A_1057 = tpu.memref_slice %arg4[%add3A_1050, %dma_start3A_1056] : memref<204800x128xf32, #tpu.memory_space<hbm>> -> memref<80x128xf32, #tpu.memory_space<hbm>>
      %dma_start3A_1058 = arith.constant 0 : i32
      %dma_start3A_1059 = tpu.memref_slice %arg4[%add3A_1050, %dma_start3A_1058] : memref<204800x128xf32, #tpu.memory_space<hbm>> -> memref<80x128xf32, #tpu.memory_space<hbm>>
      %dma_start3A_1060 = arith.constant 0 : i32
      %dma_start3A_1061 = arith.constant 0 : i32
      %dma_start3A_1062 = tpu.memref_slice %arg6[%dma_start3A_1051, %dma_start3A_1060, %dma_start3A_1061] : memref<10x80x128xf32, #tpu.memory_space<vmem>> -> memref<1x80x128xf32, #tpu.memory_space<vmem>>
      %dma_start3A_1063 = tpu.memref_squeeze %dma_start3A_1062 : memref<1x80x128xf32, #tpu.memory_space<vmem>> -> memref<80x128xf32, #tpu.memory_space<vmem>>
      tpu.enqueue_dma source(%dma_start3A_1063 : memref<80x128xf32, #tpu.memory_space<vmem>>) target(%dma_start3A_1059 : memref<80x128xf32, #tpu.memory_space<hbm>>) target_semaphore(%arg23 : memref<!tpu.dma_semaphore, #tpu.memory_space<semaphore_mem>>)
      %add3A_1064 = arith.constant 7 : i32
      %add3A_1065 = arith.addi %mul3A_551, %add3A_1064 : i32
      %dma_wait3A_1066 = arith.constant 7 : i32
      %dma_wait3A_1067 = arith.constant 0 : i32
      %dma_wait3A_1068 = arith.constant 0 : i32
      %dma_wait3A_1069 = tpu.memref_slice %arg6[%dma_wait3A_1066, %dma_wait3A_1067, %dma_wait3A_1068] : memref<10x80x128xf32, #tpu.memory_space<vmem>> -> memref<1x80x128xf32, #tpu.memory_space<vmem>>
      %dma_wait3A_1070 = tpu.memref_squeeze %dma_wait3A_1069 : memref<1x80x128xf32, #tpu.memory_space<vmem>> -> memref<80x128xf32, #tpu.memory_space<vmem>>
      %dma_wait3A_1071 = arith.constant 0 : i32
      %dma_wait3A_1072 = tpu.memref_slice %arg5[%add3A_1065, %dma_wait3A_1071] : memref<80x80xi32, #tpu.memory_space<vmem>> -> memref<1x80xi32, #tpu.memory_space<vmem>>
      %dma_wait3A_1073 = tpu.memref_squeeze %dma_wait3A_1072 : memref<1x80xi32, #tpu.memory_space<vmem>> -> memref<80xi32, #tpu.memory_space<vmem>>
      %dma_wait3A_1074 = arith.constant 0 : i32
      %dma_wait3A_1075 = arith.constant 0 : i32
      %dma_wait3A_1076 = tpu.memref_slice %arg3[%dma_wait3A_1074, %dma_wait3A_1075] : memref<100000x128xf32, #tpu.memory_space<hbm>> -> memref<100000x128xf32, #tpu.memory_space<hbm>>
      tpu.wait_indirect_dma semaphore(%arg14 : memref<!tpu.dma_semaphore, #tpu.memory_space<semaphore_mem>>) src(%dma_wait3A_1076 : memref<100000x128xf32, #tpu.memory_space<hbm>>) dst(%dma_wait3A_1070 : memref<80x128xf32, #tpu.memory_space<vmem>>)
      %mul3A_1077 = arith.constant 80 : i32
      %mul3A_1078 = arith.muli %add3A_1065, %mul3A_1077 : i32
      %add3A_1079 = arith.addi %mul3A_2, %mul3A_1078 : i32
      %dma_start3A_1080 = arith.constant 7 : i32
      %dma_start3A_1081 = arith.constant 0 : i32
      %dma_start3A_1082 = arith.constant 0 : i32
      %dma_start3A_1083 = tpu.memref_slice %arg6[%dma_start3A_1080, %dma_start3A_1081, %dma_start3A_1082] : memref<10x80x128xf32, #tpu.memory_space<vmem>> -> memref<1x80x128xf32, #tpu.memory_space<vmem>>
      %dma_start3A_1084 = tpu.memref_squeeze %dma_start3A_1083 : memref<1x80x128xf32, #tpu.memory_space<vmem>> -> memref<80x128xf32, #tpu.memory_space<vmem>>
      %dma_start3A_1085 = arith.constant 0 : i32
      %dma_start3A_1086 = tpu.memref_slice %arg4[%add3A_1079, %dma_start3A_1085] : memref<204800x128xf32, #tpu.memory_space<hbm>> -> memref<80x128xf32, #tpu.memory_space<hbm>>
      %dma_start3A_1087 = arith.constant 0 : i32
      %dma_start3A_1088 = tpu.memref_slice %arg4[%add3A_1079, %dma_start3A_1087] : memref<204800x128xf32, #tpu.memory_space<hbm>> -> memref<80x128xf32, #tpu.memory_space<hbm>>
      %dma_start3A_1089 = arith.constant 0 : i32
      %dma_start3A_1090 = arith.constant 0 : i32
      %dma_start3A_1091 = tpu.memref_slice %arg6[%dma_start3A_1080, %dma_start3A_1089, %dma_start3A_1090] : memref<10x80x128xf32, #tpu.memory_space<vmem>> -> memref<1x80x128xf32, #tpu.memory_space<vmem>>
      %dma_start3A_1092 = tpu.memref_squeeze %dma_start3A_1091 : memref<1x80x128xf32, #tpu.memory_space<vmem>> -> memref<80x128xf32, #tpu.memory_space<vmem>>
      tpu.enqueue_dma source(%dma_start3A_1092 : memref<80x128xf32, #tpu.memory_space<vmem>>) target(%dma_start3A_1088 : memref<80x128xf32, #tpu.memory_space<hbm>>) target_semaphore(%arg24 : memref<!tpu.dma_semaphore, #tpu.memory_space<semaphore_mem>>)
      %add3A_1093 = arith.constant 8 : i32
      %add3A_1094 = arith.addi %mul3A_551, %add3A_1093 : i32
      %dma_wait3A_1095 = arith.constant 8 : i32
      %dma_wait3A_1096 = arith.constant 0 : i32
      %dma_wait3A_1097 = arith.constant 0 : i32
      %dma_wait3A_1098 = tpu.memref_slice %arg6[%dma_wait3A_1095, %dma_wait3A_1096, %dma_wait3A_1097] : memref<10x80x128xf32, #tpu.memory_space<vmem>> -> memref<1x80x128xf32, #tpu.memory_space<vmem>>
      %dma_wait3A_1099 = tpu.memref_squeeze %dma_wait3A_1098 : memref<1x80x128xf32, #tpu.memory_space<vmem>> -> memref<80x128xf32, #tpu.memory_space<vmem>>
      %dma_wait3A_1100 = arith.constant 0 : i32
      %dma_wait3A_1101 = tpu.memref_slice %arg5[%add3A_1094, %dma_wait3A_1100] : memref<80x80xi32, #tpu.memory_space<vmem>> -> memref<1x80xi32, #tpu.memory_space<vmem>>
      %dma_wait3A_1102 = tpu.memref_squeeze %dma_wait3A_1101 : memref<1x80xi32, #tpu.memory_space<vmem>> -> memref<80xi32, #tpu.memory_space<vmem>>
      %dma_wait3A_1103 = arith.constant 0 : i32
      %dma_wait3A_1104 = arith.constant 0 : i32
      %dma_wait3A_1105 = tpu.memref_slice %arg3[%dma_wait3A_1103, %dma_wait3A_1104] : memref<100000x128xf32, #tpu.memory_space<hbm>> -> memref<100000x128xf32, #tpu.memory_space<hbm>>
      tpu.wait_indirect_dma semaphore(%arg15 : memref<!tpu.dma_semaphore, #tpu.memory_space<semaphore_mem>>) src(%dma_wait3A_1105 : memref<100000x128xf32, #tpu.memory_space<hbm>>) dst(%dma_wait3A_1099 : memref<80x128xf32, #tpu.memory_space<vmem>>)
      %mul3A_1106 = arith.constant 80 : i32
      %mul3A_1107 = arith.muli %add3A_1094, %mul3A_1106 : i32
      %add3A_1108 = arith.addi %mul3A_2, %mul3A_1107 : i32
      %dma_start3A_1109 = arith.constant 8 : i32
      %dma_start3A_1110 = arith.constant 0 : i32
      %dma_start3A_1111 = arith.constant 0 : i32
      %dma_start3A_1112 = tpu.memref_slice %arg6[%dma_start3A_1109, %dma_start3A_1110, %dma_start3A_1111] : memref<10x80x128xf32, #tpu.memory_space<vmem>> -> memref<1x80x128xf32, #tpu.memory_space<vmem>>
      %dma_start3A_1113 = tpu.memref_squeeze %dma_start3A_1112 : memref<1x80x128xf32, #tpu.memory_space<vmem>> -> memref<80x128xf32, #tpu.memory_space<vmem>>
      %dma_start3A_1114 = arith.constant 0 : i32
      %dma_start3A_1115 = tpu.memref_slice %arg4[%add3A_1108, %dma_start3A_1114] : memref<204800x128xf32, #tpu.memory_space<hbm>> -> memref<80x128xf32, #tpu.memory_space<hbm>>
      %dma_start3A_1116 = arith.constant 0 : i32
      %dma_start3A_1117 = tpu.memref_slice %arg4[%add3A_1108, %dma_start3A_1116] : memref<204800x128xf32, #tpu.memory_space<hbm>> -> memref<80x128xf32, #tpu.memory_space<hbm>>
      %dma_start3A_1118 = arith.constant 0 : i32
      %dma_start3A_1119 = arith.constant 0 : i32
      %dma_start3A_1120 = tpu.memref_slice %arg6[%dma_start3A_1109, %dma_start3A_1118, %dma_start3A_1119] : memref<10x80x128xf32, #tpu.memory_space<vmem>> -> memref<1x80x128xf32, #tpu.memory_space<vmem>>
      %dma_start3A_1121 = tpu.memref_squeeze %dma_start3A_1120 : memref<1x80x128xf32, #tpu.memory_space<vmem>> -> memref<80x128xf32, #tpu.memory_space<vmem>>
      tpu.enqueue_dma source(%dma_start3A_1121 : memref<80x128xf32, #tpu.memory_space<vmem>>) target(%dma_start3A_1117 : memref<80x128xf32, #tpu.memory_space<hbm>>) target_semaphore(%arg25 : memref<!tpu.dma_semaphore, #tpu.memory_space<semaphore_mem>>)
      %add3A_1122 = arith.constant 9 : i32
      %add3A_1123 = arith.addi %mul3A_551, %add3A_1122 : i32
      %dma_wait3A_1124 = arith.constant 9 : i32
      %dma_wait3A_1125 = arith.constant 0 : i32
      %dma_wait3A_1126 = arith.constant 0 : i32
      %dma_wait3A_1127 = tpu.memref_slice %arg6[%dma_wait3A_1124, %dma_wait3A_1125, %dma_wait3A_1126] : memref<10x80x128xf32, #tpu.memory_space<vmem>> -> memref<1x80x128xf32, #tpu.memory_space<vmem>>
      %dma_wait3A_1128 = tpu.memref_squeeze %dma_wait3A_1127 : memref<1x80x128xf32, #tpu.memory_space<vmem>> -> memref<80x128xf32, #tpu.memory_space<vmem>>
      %dma_wait3A_1129 = arith.constant 0 : i32
      %dma_wait3A_1130 = tpu.memref_slice %arg5[%add3A_1123, %dma_wait3A_1129] : memref<80x80xi32, #tpu.memory_space<vmem>> -> memref<1x80xi32, #tpu.memory_space<vmem>>
      %dma_wait3A_1131 = tpu.memref_squeeze %dma_wait3A_1130 : memref<1x80xi32, #tpu.memory_space<vmem>> -> memref<80xi32, #tpu.memory_space<vmem>>
      %dma_wait3A_1132 = arith.constant 0 : i32
      %dma_wait3A_1133 = arith.constant 0 : i32
      %dma_wait3A_1134 = tpu.memref_slice %arg3[%dma_wait3A_1132, %dma_wait3A_1133] : memref<100000x128xf32, #tpu.memory_space<hbm>> -> memref<100000x128xf32, #tpu.memory_space<hbm>>
      tpu.wait_indirect_dma semaphore(%arg16 : memref<!tpu.dma_semaphore, #tpu.memory_space<semaphore_mem>>) src(%dma_wait3A_1134 : memref<100000x128xf32, #tpu.memory_space<hbm>>) dst(%dma_wait3A_1128 : memref<80x128xf32, #tpu.memory_space<vmem>>)
      %mul3A_1135 = arith.constant 80 : i32
      %mul3A_1136 = arith.muli %add3A_1123, %mul3A_1135 : i32
      %add3A_1137 = arith.addi %mul3A_2, %mul3A_1136 : i32
      %dma_start3A_1138 = arith.constant 9 : i32
      %dma_start3A_1139 = arith.constant 0 : i32
      %dma_start3A_1140 = arith.constant 0 : i32
      %dma_start3A_1141 = tpu.memref_slice %arg6[%dma_start3A_1138, %dma_start3A_1139, %dma_start3A_1140] : memref<10x80x128xf32, #tpu.memory_space<vmem>> -> memref<1x80x128xf32, #tpu.memory_space<vmem>>
      %dma_start3A_1142 = tpu.memref_squeeze %dma_start3A_1141 : memref<1x80x128xf32, #tpu.memory_space<vmem>> -> memref<80x128xf32, #tpu.memory_space<vmem>>
      %dma_start3A_1143 = arith.constant 0 : i32
      %dma_start3A_1144 = tpu.memref_slice %arg4[%add3A_1137, %dma_start3A_1143] : memref<204800x128xf32, #tpu.memory_space<hbm>> -> memref<80x128xf32, #tpu.memory_space<hbm>>
      %dma_start3A_1145 = arith.constant 0 : i32
      %dma_start3A_1146 = tpu.memref_slice %arg4[%add3A_1137, %dma_start3A_1145] : memref<204800x128xf32, #tpu.memory_space<hbm>> -> memref<80x128xf32, #tpu.memory_space<hbm>>
      %dma_start3A_1147 = arith.constant 0 : i32
      %dma_start3A_1148 = arith.constant 0 : i32
      %dma_start3A_1149 = tpu.memref_slice %arg6[%dma_start3A_1138, %dma_start3A_1147, %dma_start3A_1148] : memref<10x80x128xf32, #tpu.memory_space<vmem>> -> memref<1x80x128xf32, #tpu.memory_space<vmem>>
      %dma_start3A_1150 = tpu.memref_squeeze %dma_start3A_1149 : memref<1x80x128xf32, #tpu.memory_space<vmem>> -> memref<80x128xf32, #tpu.memory_space<vmem>>
      tpu.enqueue_dma source(%dma_start3A_1150 : memref<80x128xf32, #tpu.memory_space<vmem>>) target(%dma_start3A_1146 : memref<80x128xf32, #tpu.memory_space<hbm>>) target_semaphore(%arg26 : memref<!tpu.dma_semaphore, #tpu.memory_space<semaphore_mem>>)
    }
    %scan3A_394 = arith.constant 7 : i32
    %add3A_395 = arith.constant 5600 : i32
    %add3A_396 = arith.addi %mul3A_2, %add3A_395 : i32
    %dma_wait3A_397 = arith.constant 0 : i32
    %dma_wait3A_398 = arith.constant 0 : i32
    %dma_wait3A_399 = arith.constant 0 : i32
    %dma_wait3A_400 = tpu.memref_slice %arg6[%dma_wait3A_397, %dma_wait3A_398, %dma_wait3A_399] : memref<10x80x128xf32, #tpu.memory_space<vmem>> -> memref<1x80x128xf32, #tpu.memory_space<vmem>>
    %dma_wait3A_401 = tpu.memref_squeeze %dma_wait3A_400 : memref<1x80x128xf32, #tpu.memory_space<vmem>> -> memref<80x128xf32, #tpu.memory_space<vmem>>
    %dma_wait3A_402 = arith.constant 0 : i32
    %dma_wait3A_403 = tpu.memref_slice %arg4[%add3A_396, %dma_wait3A_402] : memref<204800x128xf32, #tpu.memory_space<hbm>> -> memref<80x128xf32, #tpu.memory_space<hbm>>
    %dma_wait3A_404 = arith.constant 0 : i32
    %dma_wait3A_405 = tpu.memref_slice %arg4[%add3A_396, %dma_wait3A_404] : memref<204800x128xf32, #tpu.memory_space<hbm>> -> memref<80x128xf32, #tpu.memory_space<hbm>>
    %dma_wait3A_406 = arith.constant 0 : i32
    %dma_wait3A_407 = arith.constant 0 : i32
    %dma_wait3A_408 = tpu.memref_slice %arg6[%dma_wait3A_397, %dma_wait3A_406, %dma_wait3A_407] : memref<10x80x128xf32, #tpu.memory_space<vmem>> -> memref<1x80x128xf32, #tpu.memory_space<vmem>>
    %dma_wait3A_409 = tpu.memref_squeeze %dma_wait3A_408 : memref<1x80x128xf32, #tpu.memory_space<vmem>> -> memref<80x128xf32, #tpu.memory_space<vmem>>
    tpu.wait_dma2 semaphore(%arg17 : memref<!tpu.dma_semaphore, #tpu.memory_space<semaphore_mem>>) src(%dma_wait3A_409 : memref<80x128xf32, #tpu.memory_space<vmem>>) dst(%dma_wait3A_405 : memref<80x128xf32, #tpu.memory_space<hbm>>)
    %add3A_410 = arith.constant 5680 : i32
    %add3A_411 = arith.addi %mul3A_2, %add3A_410 : i32
    %dma_wait3A_412 = arith.constant 1 : i32
    %dma_wait3A_413 = arith.constant 0 : i32
    %dma_wait3A_414 = arith.constant 0 : i32
    %dma_wait3A_415 = tpu.memref_slice %arg6[%dma_wait3A_412, %dma_wait3A_413, %dma_wait3A_414] : memref<10x80x128xf32, #tpu.memory_space<vmem>> -> memref<1x80x128xf32, #tpu.memory_space<vmem>>
    %dma_wait3A_416 = tpu.memref_squeeze %dma_wait3A_415 : memref<1x80x128xf32, #tpu.memory_space<vmem>> -> memref<80x128xf32, #tpu.memory_space<vmem>>
    %dma_wait3A_417 = arith.constant 0 : i32
    %dma_wait3A_418 = tpu.memref_slice %arg4[%add3A_411, %dma_wait3A_417] : memref<204800x128xf32, #tpu.memory_space<hbm>> -> memref<80x128xf32, #tpu.memory_space<hbm>>
    %dma_wait3A_419 = arith.constant 0 : i32
    %dma_wait3A_420 = tpu.memref_slice %arg4[%add3A_411, %dma_wait3A_419] : memref<204800x128xf32, #tpu.memory_space<hbm>> -> memref<80x128xf32, #tpu.memory_space<hbm>>
    %dma_wait3A_421 = arith.constant 0 : i32
    %dma_wait3A_422 = arith.constant 0 : i32
    %dma_wait3A_423 = tpu.memref_slice %arg6[%dma_wait3A_412, %dma_wait3A_421, %dma_wait3A_422] : memref<10x80x128xf32, #tpu.memory_space<vmem>> -> memref<1x80x128xf32, #tpu.memory_space<vmem>>
    %dma_wait3A_424 = tpu.memref_squeeze %dma_wait3A_423 : memref<1x80x128xf32, #tpu.memory_space<vmem>> -> memref<80x128xf32, #tpu.memory_space<vmem>>
    tpu.wait_dma2 semaphore(%arg18 : memref<!tpu.dma_semaphore, #tpu.memory_space<semaphore_mem>>) src(%dma_wait3A_424 : memref<80x128xf32, #tpu.memory_space<vmem>>) dst(%dma_wait3A_420 : memref<80x128xf32, #tpu.memory_space<hbm>>)
    %add3A_425 = arith.constant 5760 : i32
    %add3A_426 = arith.addi %mul3A_2, %add3A_425 : i32
    %dma_wait3A_427 = arith.constant 2 : i32
    %dma_wait3A_428 = arith.constant 0 : i32
    %dma_wait3A_429 = arith.constant 0 : i32
    %dma_wait3A_430 = tpu.memref_slice %arg6[%dma_wait3A_427, %dma_wait3A_428, %dma_wait3A_429] : memref<10x80x128xf32, #tpu.memory_space<vmem>> -> memref<1x80x128xf32, #tpu.memory_space<vmem>>
    %dma_wait3A_431 = tpu.memref_squeeze %dma_wait3A_430 : memref<1x80x128xf32, #tpu.memory_space<vmem>> -> memref<80x128xf32, #tpu.memory_space<vmem>>
    %dma_wait3A_432 = arith.constant 0 : i32
    %dma_wait3A_433 = tpu.memref_slice %arg4[%add3A_426, %dma_wait3A_432] : memref<204800x128xf32, #tpu.memory_space<hbm>> -> memref<80x128xf32, #tpu.memory_space<hbm>>
    %dma_wait3A_434 = arith.constant 0 : i32
    %dma_wait3A_435 = tpu.memref_slice %arg4[%add3A_426, %dma_wait3A_434] : memref<204800x128xf32, #tpu.memory_space<hbm>> -> memref<80x128xf32, #tpu.memory_space<hbm>>
    %dma_wait3A_436 = arith.constant 0 : i32
    %dma_wait3A_437 = arith.constant 0 : i32
    %dma_wait3A_438 = tpu.memref_slice %arg6[%dma_wait3A_427, %dma_wait3A_436, %dma_wait3A_437] : memref<10x80x128xf32, #tpu.memory_space<vmem>> -> memref<1x80x128xf32, #tpu.memory_space<vmem>>
    %dma_wait3A_439 = tpu.memref_squeeze %dma_wait3A_438 : memref<1x80x128xf32, #tpu.memory_space<vmem>> -> memref<80x128xf32, #tpu.memory_space<vmem>>
    tpu.wait_dma2 semaphore(%arg19 : memref<!tpu.dma_semaphore, #tpu.memory_space<semaphore_mem>>) src(%dma_wait3A_439 : memref<80x128xf32, #tpu.memory_space<vmem>>) dst(%dma_wait3A_435 : memref<80x128xf32, #tpu.memory_space<hbm>>)
    %add3A_440 = arith.constant 5840 : i32
    %add3A_441 = arith.addi %mul3A_2, %add3A_440 : i32
    %dma_wait3A_442 = arith.constant 3 : i32
    %dma_wait3A_443 = arith.constant 0 : i32
    %dma_wait3A_444 = arith.constant 0 : i32
    %dma_wait3A_445 = tpu.memref_slice %arg6[%dma_wait3A_442, %dma_wait3A_443, %dma_wait3A_444] : memref<10x80x128xf32, #tpu.memory_space<vmem>> -> memref<1x80x128xf32, #tpu.memory_space<vmem>>
    %dma_wait3A_446 = tpu.memref_squeeze %dma_wait3A_445 : memref<1x80x128xf32, #tpu.memory_space<vmem>> -> memref<80x128xf32, #tpu.memory_space<vmem>>
    %dma_wait3A_447 = arith.constant 0 : i32
    %dma_wait3A_448 = tpu.memref_slice %arg4[%add3A_441, %dma_wait3A_447] : memref<204800x128xf32, #tpu.memory_space<hbm>> -> memref<80x128xf32, #tpu.memory_space<hbm>>
    %dma_wait3A_449 = arith.constant 0 : i32
    %dma_wait3A_450 = tpu.memref_slice %arg4[%add3A_441, %dma_wait3A_449] : memref<204800x128xf32, #tpu.memory_space<hbm>> -> memref<80x128xf32, #tpu.memory_space<hbm>>
    %dma_wait3A_451 = arith.constant 0 : i32
    %dma_wait3A_452 = arith.constant 0 : i32
    %dma_wait3A_453 = tpu.memref_slice %arg6[%dma_wait3A_442, %dma_wait3A_451, %dma_wait3A_452] : memref<10x80x128xf32, #tpu.memory_space<vmem>> -> memref<1x80x128xf32, #tpu.memory_space<vmem>>
    %dma_wait3A_454 = tpu.memref_squeeze %dma_wait3A_453 : memref<1x80x128xf32, #tpu.memory_space<vmem>> -> memref<80x128xf32, #tpu.memory_space<vmem>>
    tpu.wait_dma2 semaphore(%arg20 : memref<!tpu.dma_semaphore, #tpu.memory_space<semaphore_mem>>) src(%dma_wait3A_454 : memref<80x128xf32, #tpu.memory_space<vmem>>) dst(%dma_wait3A_450 : memref<80x128xf32, #tpu.memory_space<hbm>>)
    %add3A_455 = arith.constant 5920 : i32
    %add3A_456 = arith.addi %mul3A_2, %add3A_455 : i32
    %dma_wait3A_457 = arith.constant 4 : i32
    %dma_wait3A_458 = arith.constant 0 : i32
    %dma_wait3A_459 = arith.constant 0 : i32
    %dma_wait3A_460 = tpu.memref_slice %arg6[%dma_wait3A_457, %dma_wait3A_458, %dma_wait3A_459] : memref<10x80x128xf32, #tpu.memory_space<vmem>> -> memref<1x80x128xf32, #tpu.memory_space<vmem>>
    %dma_wait3A_461 = tpu.memref_squeeze %dma_wait3A_460 : memref<1x80x128xf32, #tpu.memory_space<vmem>> -> memref<80x128xf32, #tpu.memory_space<vmem>>
    %dma_wait3A_462 = arith.constant 0 : i32
    %dma_wait3A_463 = tpu.memref_slice %arg4[%add3A_456, %dma_wait3A_462] : memref<204800x128xf32, #tpu.memory_space<hbm>> -> memref<80x128xf32, #tpu.memory_space<hbm>>
    %dma_wait3A_464 = arith.constant 0 : i32
    %dma_wait3A_465 = tpu.memref_slice %arg4[%add3A_456, %dma_wait3A_464] : memref<204800x128xf32, #tpu.memory_space<hbm>> -> memref<80x128xf32, #tpu.memory_space<hbm>>
    %dma_wait3A_466 = arith.constant 0 : i32
    %dma_wait3A_467 = arith.constant 0 : i32
    %dma_wait3A_468 = tpu.memref_slice %arg6[%dma_wait3A_457, %dma_wait3A_466, %dma_wait3A_467] : memref<10x80x128xf32, #tpu.memory_space<vmem>> -> memref<1x80x128xf32, #tpu.memory_space<vmem>>
    %dma_wait3A_469 = tpu.memref_squeeze %dma_wait3A_468 : memref<1x80x128xf32, #tpu.memory_space<vmem>> -> memref<80x128xf32, #tpu.memory_space<vmem>>
    tpu.wait_dma2 semaphore(%arg21 : memref<!tpu.dma_semaphore, #tpu.memory_space<semaphore_mem>>) src(%dma_wait3A_469 : memref<80x128xf32, #tpu.memory_space<vmem>>) dst(%dma_wait3A_465 : memref<80x128xf32, #tpu.memory_space<hbm>>)
    %add3A_470 = arith.constant 6000 : i32
    %add3A_471 = arith.addi %mul3A_2, %add3A_470 : i32
    %dma_wait3A_472 = arith.constant 5 : i32
    %dma_wait3A_473 = arith.constant 0 : i32
    %dma_wait3A_474 = arith.constant 0 : i32
    %dma_wait3A_475 = tpu.memref_slice %arg6[%dma_wait3A_472, %dma_wait3A_473, %dma_wait3A_474] : memref<10x80x128xf32, #tpu.memory_space<vmem>> -> memref<1x80x128xf32, #tpu.memory_space<vmem>>
    %dma_wait3A_476 = tpu.memref_squeeze %dma_wait3A_475 : memref<1x80x128xf32, #tpu.memory_space<vmem>> -> memref<80x128xf32, #tpu.memory_space<vmem>>
    %dma_wait3A_477 = arith.constant 0 : i32
    %dma_wait3A_478 = tpu.memref_slice %arg4[%add3A_471, %dma_wait3A_477] : memref<204800x128xf32, #tpu.memory_space<hbm>> -> memref<80x128xf32, #tpu.memory_space<hbm>>
    %dma_wait3A_479 = arith.constant 0 : i32
    %dma_wait3A_480 = tpu.memref_slice %arg4[%add3A_471, %dma_wait3A_479] : memref<204800x128xf32, #tpu.memory_space<hbm>> -> memref<80x128xf32, #tpu.memory_space<hbm>>
    %dma_wait3A_481 = arith.constant 0 : i32
    %dma_wait3A_482 = arith.constant 0 : i32
    %dma_wait3A_483 = tpu.memref_slice %arg6[%dma_wait3A_472, %dma_wait3A_481, %dma_wait3A_482] : memref<10x80x128xf32, #tpu.memory_space<vmem>> -> memref<1x80x128xf32, #tpu.memory_space<vmem>>
    %dma_wait3A_484 = tpu.memref_squeeze %dma_wait3A_483 : memref<1x80x128xf32, #tpu.memory_space<vmem>> -> memref<80x128xf32, #tpu.memory_space<vmem>>
    tpu.wait_dma2 semaphore(%arg22 : memref<!tpu.dma_semaphore, #tpu.memory_space<semaphore_mem>>) src(%dma_wait3A_484 : memref<80x128xf32, #tpu.memory_space<vmem>>) dst(%dma_wait3A_480 : memref<80x128xf32, #tpu.memory_space<hbm>>)
    %add3A_485 = arith.constant 6080 : i32
    %add3A_486 = arith.addi %mul3A_2, %add3A_485 : i32
    %dma_wait3A_487 = arith.constant 6 : i32
    %dma_wait3A_488 = arith.constant 0 : i32
    %dma_wait3A_489 = arith.constant 0 : i32
    %dma_wait3A_490 = tpu.memref_slice %arg6[%dma_wait3A_487, %dma_wait3A_488, %dma_wait3A_489] : memref<10x80x128xf32, #tpu.memory_space<vmem>> -> memref<1x80x128xf32, #tpu.memory_space<vmem>>
    %dma_wait3A_491 = tpu.memref_squeeze %dma_wait3A_490 : memref<1x80x128xf32, #tpu.memory_space<vmem>> -> memref<80x128xf32, #tpu.memory_space<vmem>>
    %dma_wait3A_492 = arith.constant 0 : i32
    %dma_wait3A_493 = tpu.memref_slice %arg4[%add3A_486, %dma_wait3A_492] : memref<204800x128xf32, #tpu.memory_space<hbm>> -> memref<80x128xf32, #tpu.memory_space<hbm>>
    %dma_wait3A_494 = arith.constant 0 : i32
    %dma_wait3A_495 = tpu.memref_slice %arg4[%add3A_486, %dma_wait3A_494] : memref<204800x128xf32, #tpu.memory_space<hbm>> -> memref<80x128xf32, #tpu.memory_space<hbm>>
    %dma_wait3A_496 = arith.constant 0 : i32
    %dma_wait3A_497 = arith.constant 0 : i32
    %dma_wait3A_498 = tpu.memref_slice %arg6[%dma_wait3A_487, %dma_wait3A_496, %dma_wait3A_497] : memref<10x80x128xf32, #tpu.memory_space<vmem>> -> memref<1x80x128xf32, #tpu.memory_space<vmem>>
    %dma_wait3A_499 = tpu.memref_squeeze %dma_wait3A_498 : memref<1x80x128xf32, #tpu.memory_space<vmem>> -> memref<80x128xf32, #tpu.memory_space<vmem>>
    tpu.wait_dma2 semaphore(%arg23 : memref<!tpu.dma_semaphore, #tpu.memory_space<semaphore_mem>>) src(%dma_wait3A_499 : memref<80x128xf32, #tpu.memory_space<vmem>>) dst(%dma_wait3A_495 : memref<80x128xf32, #tpu.memory_space<hbm>>)
    %add3A_500 = arith.constant 6160 : i32
    %add3A_501 = arith.addi %mul3A_2, %add3A_500 : i32
    %dma_wait3A_502 = arith.constant 7 : i32
    %dma_wait3A_503 = arith.constant 0 : i32
    %dma_wait3A_504 = arith.constant 0 : i32
    %dma_wait3A_505 = tpu.memref_slice %arg6[%dma_wait3A_502, %dma_wait3A_503, %dma_wait3A_504] : memref<10x80x128xf32, #tpu.memory_space<vmem>> -> memref<1x80x128xf32, #tpu.memory_space<vmem>>
    %dma_wait3A_506 = tpu.memref_squeeze %dma_wait3A_505 : memref<1x80x128xf32, #tpu.memory_space<vmem>> -> memref<80x128xf32, #tpu.memory_space<vmem>>
    %dma_wait3A_507 = arith.constant 0 : i32
    %dma_wait3A_508 = tpu.memref_slice %arg4[%add3A_501, %dma_wait3A_507] : memref<204800x128xf32, #tpu.memory_space<hbm>> -> memref<80x128xf32, #tpu.memory_space<hbm>>
    %dma_wait3A_509 = arith.constant 0 : i32
    %dma_wait3A_510 = tpu.memref_slice %arg4[%add3A_501, %dma_wait3A_509] : memref<204800x128xf32, #tpu.memory_space<hbm>> -> memref<80x128xf32, #tpu.memory_space<hbm>>
    %dma_wait3A_511 = arith.constant 0 : i32
    %dma_wait3A_512 = arith.constant 0 : i32
    %dma_wait3A_513 = tpu.memref_slice %arg6[%dma_wait3A_502, %dma_wait3A_511, %dma_wait3A_512] : memref<10x80x128xf32, #tpu.memory_space<vmem>> -> memref<1x80x128xf32, #tpu.memory_space<vmem>>
    %dma_wait3A_514 = tpu.memref_squeeze %dma_wait3A_513 : memref<1x80x128xf32, #tpu.memory_space<vmem>> -> memref<80x128xf32, #tpu.memory_space<vmem>>
    tpu.wait_dma2 semaphore(%arg24 : memref<!tpu.dma_semaphore, #tpu.memory_space<semaphore_mem>>) src(%dma_wait3A_514 : memref<80x128xf32, #tpu.memory_space<vmem>>) dst(%dma_wait3A_510 : memref<80x128xf32, #tpu.memory_space<hbm>>)
    %add3A_515 = arith.constant 6240 : i32
    %add3A_516 = arith.addi %mul3A_2, %add3A_515 : i32
    %dma_wait3A_517 = arith.constant 8 : i32
    %dma_wait3A_518 = arith.constant 0 : i32
    %dma_wait3A_519 = arith.constant 0 : i32
    %dma_wait3A_520 = tpu.memref_slice %arg6[%dma_wait3A_517, %dma_wait3A_518, %dma_wait3A_519] : memref<10x80x128xf32, #tpu.memory_space<vmem>> -> memref<1x80x128xf32, #tpu.memory_space<vmem>>
    %dma_wait3A_521 = tpu.memref_squeeze %dma_wait3A_520 : memref<1x80x128xf32, #tpu.memory_space<vmem>> -> memref<80x128xf32, #tpu.memory_space<vmem>>
    %dma_wait3A_522 = arith.constant 0 : i32
    %dma_wait3A_523 = tpu.memref_slice %arg4[%add3A_516, %dma_wait3A_522] : memref<204800x128xf32, #tpu.memory_space<hbm>> -> memref<80x128xf32, #tpu.memory_space<hbm>>
    %dma_wait3A_524 = arith.constant 0 : i32
    %dma_wait3A_525 = tpu.memref_slice %arg4[%add3A_516, %dma_wait3A_524] : memref<204800x128xf32, #tpu.memory_space<hbm>> -> memref<80x128xf32, #tpu.memory_space<hbm>>
    %dma_wait3A_526 = arith.constant 0 : i32
    %dma_wait3A_527 = arith.constant 0 : i32
    %dma_wait3A_528 = tpu.memref_slice %arg6[%dma_wait3A_517, %dma_wait3A_526, %dma_wait3A_527] : memref<10x80x128xf32, #tpu.memory_space<vmem>> -> memref<1x80x128xf32, #tpu.memory_space<vmem>>
    %dma_wait3A_529 = tpu.memref_squeeze %dma_wait3A_528 : memref<1x80x128xf32, #tpu.memory_space<vmem>> -> memref<80x128xf32, #tpu.memory_space<vmem>>
    tpu.wait_dma2 semaphore(%arg25 : memref<!tpu.dma_semaphore, #tpu.memory_space<semaphore_mem>>) src(%dma_wait3A_529 : memref<80x128xf32, #tpu.memory_space<vmem>>) dst(%dma_wait3A_525 : memref<80x128xf32, #tpu.memory_space<hbm>>)
    %add3A_530 = arith.constant 6320 : i32
    %add3A_531 = arith.addi %mul3A_2, %add3A_530 : i32
    %dma_wait3A_532 = arith.constant 9 : i32
    %dma_wait3A_533 = arith.constant 0 : i32
    %dma_wait3A_534 = arith.constant 0 : i32
    %dma_wait3A_535 = tpu.memref_slice %arg6[%dma_wait3A_532, %dma_wait3A_533, %dma_wait3A_534] : memref<10x80x128xf32, #tpu.memory_space<vmem>> -> memref<1x80x128xf32, #tpu.memory_space<vmem>>
    %dma_wait3A_536 = tpu.memref_squeeze %dma_wait3A_535 : memref<1x80x128xf32, #tpu.memory_space<vmem>> -> memref<80x128xf32, #tpu.memory_space<vmem>>
    %dma_wait3A_537 = arith.constant 0 : i32
    %dma_wait3A_538 = tpu.memref_slice %arg4[%add3A_531, %dma_wait3A_537] : memref<204800x128xf32, #tpu.memory_space<hbm>> -> memref<80x128xf32, #tpu.memory_space<hbm>>
    %dma_wait3A_539 = arith.constant 0 : i32
    %dma_wait3A_540 = tpu.memref_slice %arg4[%add3A_531, %dma_wait3A_539] : memref<204800x128xf32, #tpu.memory_space<hbm>> -> memref<80x128xf32, #tpu.memory_space<hbm>>
    %dma_wait3A_541 = arith.constant 0 : i32
    %dma_wait3A_542 = arith.constant 0 : i32
    %dma_wait3A_543 = tpu.memref_slice %arg6[%dma_wait3A_532, %dma_wait3A_541, %dma_wait3A_542] : memref<10x80x128xf32, #tpu.memory_space<vmem>> -> memref<1x80x128xf32, #tpu.memory_space<vmem>>
    %dma_wait3A_544 = tpu.memref_squeeze %dma_wait3A_543 : memref<1x80x128xf32, #tpu.memory_space<vmem>> -> memref<80x128xf32, #tpu.memory_space<vmem>>
    tpu.wait_dma2 semaphore(%arg26 : memref<!tpu.dma_semaphore, #tpu.memory_space<semaphore_mem>>) src(%dma_wait3A_544 : memref<80x128xf32, #tpu.memory_space<vmem>>) dst(%dma_wait3A_540 : memref<80x128xf32, #tpu.memory_space<hbm>>)
    return
  }
}

</mosaic_0001>

<sc_bundles>
// kernel: kernel.3.cloned.1.call-start
scs
__scs_entry_jumppad:
0x0: {  	(pc) =	sbr.rel $0x88, $3  }
0x1: {  	(tag) =	ssettag $0x0;
	lr =	simm.s32 $0x1  }
0x2: {  	[smem:$0x3F9F] =	sst lr;
	_ =	strace $0xD0000000  }
0x3: {  	_ = 	snop  }
0x4: {  	_ = 	snop  }
0x5: {  	_ = 	snop  }
0x6: {  	_ = 	snop  }
0x7: {  	_ = 	snop  }
__scs_overlays_trampoline_lowered:
0x8: {  	[smem:$0x3FAE] =	sst s0  }
0x9: {  	[smem:$0x3FAF] =	sst s1  }
0xa: {  	[smem:$0x3FB0] =	sst s2  }
0xb: {  	[smem:$0x3FB1] =	sst s3  }
0xc: {  	[smem:$0x3FB2] =	sst s4  }
0xd: {  	[smem:$0x3FB3] =	sst s5  }
0xe: {  	[smem:$0x3FB4] =	sst s6  }
0xf: {  	[smem:$0x3FB5] =	sst s7  }
0x10: {  	[smem:$0x3FB6] =	sst s8  }
0x11: {  	[smem:$0x3FB7] =	sst s9;
	s0 =	simm.s32 @!p0 $0x0  }
0x12: {  	s1 =	sld [smem:$0x3F9D];
	s0 =	simm.s32 @p0 $0x1  }
0x13: {  	[smem:$0x3FB8] =	sst s0;
	s0 =	simm.s32 @!p1 $0x0  }
0x14: {  	s2 =	sld [smem:$0x3F9C];
	s0 =	simm.s32 @p1 $0x1  }
0x15: {  	[smem:$0x3FB9] =	sst s0;
	s0 =	simm.s32 @!p2 $0x0  }
0x16: {  	s3 =	sld [smem:$0x3FDB];
	s0 =	simm.s32 @p2 $0x1  }
0x17: {  	s4 =	simm.s32 $0x1BF5;
	[smem:$0x3FBB] =	sst s0  }
0x18: {  	s0 =	sld [smem:$0x3F9E];
	_ =	swait.ge [sflag:s4], $0x0  }
0x19: {  	s7 =	sld [smem:$0x3F9F]  }
0x1a: {  	s8 =	sadd.s32 $0xFFFFE003, lr  }
0x1b: {  	s9 =	sadd.s32 $0xFFFFFEF7, lr;
	s5 =	simm.s32 $0xFFFFFFFF;
	p2 =	slt.u32 s8, $0xFFFFF086  }
0x1c: {  	p1 =	slt.u32 s9, $0xF7A;
	s5 =	simm.s32 @!p2 $0x0  }
0x1d: {  	s5 =	simm.s32 @p1 $0x1;
	p0 =	seq.s32 s7, s2  }
0x1e: {  	s7 =	smul.u32 @!p0 $0xF7A, s2;
	p2 =	seq.s32 @!p0 s5, $0x0  }
0x1f: {  	s9 =	smul.u32 $0xF7A, s1;
	s8 =	simm.s32 @!p0 $0x1BF5;
	p2 =	por !p2, p0  }
0x20: {  	[sflag:s8] =	ssyncset.s32 @!p0 $0xFFFFF086;
	s6 =	sadd.s32 @!p0 s3, s7;
	s7 =	simm.s32 @!p0 $0x108  }
0x21: {  	s3 =	sadd.s32 s3, s9;
	s6 =	sadd.s32 @!p0 $0x88, s6;
	s7 =	simm.s32 @p2 $0x1082  }
0x22: {  	[simem:s7], [sflag:s8] =	dma.local @!p0 [hbm:s6], $0xF7A  }
0x23: {  	s9 =	sor.u32 $0xD0000000, s2;
	s6 =	simm.s32 $0x108;
	_ =	swait.ge @!p0 [sflag:s8], $0x0  }
0x24: {  	s3 =	sadd.s32 $0x88, s3;
	s6 =	simm.s32 @!p1 $0x1082;
	[sflag:s4] =	ssyncset.s32 $0xFFFFF086  }
0x25: {  	[simem:s6], [sflag:s4] =	dma.local [hbm:s3], $0xF7A  }
0x26: {  	[smem:$0x3F9F] =	sst s1;
	(tag) =	ssettag s2;
	_ =	strace s9  }
0x27: {  	s1 =	sld [smem:$0x3FAF]  }
0x28: {  	s2 =	sld [smem:$0x3FB0]  }
0x29: {  	s4 =	sld [smem:$0x3FB2]  }
0x2a: {  	p0 =	seq.s32 s5, $0x0;
	s5 =	sld [smem:$0x3FB3]  }
0x2b: {  	s6 =	sld [smem:$0x3FB4]  }
0x2c: {  	s7 =	sld [smem:$0x3FB5]  }
0x2d: {  	s3 =	simm.s32 $0x108;
	s8 =	sld [smem:$0x3FB6]  }
0x2e: {  	s3 =	simm.s32 @!p0 $0x1082;
	s9 =	sld [smem:$0x3FB7]  }
0x2f: {  	lr =	sadd.s32 s0, s3;
	s0 =	sld [smem:$0x3FAE]  }
0x30: {  	s3 =	sld [smem:$0x3FB1]  }
0x31: {  	[smem:$0x3FBA] =	sst s10  }
0x32: {  	s10 =	sld [smem:$0x3FB8];
	_ =	sdelay $0x3  }
0x33: {  	p0 =	seq.s32 s10, $0x1;
	s10 =	sld [smem:$0x3FBA];
	_ =	sdelay $0x3  }
0x34: {  	[smem:$0x3FBA] =	sst s10  }
0x35: {  	s10 =	sld [smem:$0x3FB9];
	_ =	sdelay $0x3  }
0x36: {  	p1 =	seq.s32 s10, $0x1;
	s10 =	sld [smem:$0x3FBA];
	_ =	sdelay $0x3  }
0x37: {  	[smem:$0x3FBA] =	sst s10  }
0x38: {  	s10 =	sld [smem:$0x3FBB]  }
0x39: {  	_ = 	snop;
	(pc) =	sbr.ind lr, $3  }
0x3a: {  	_ = 	snop  }
0x3b: {  	_ = 	snop  }
0x3c: {  	p2 =	seq.s32 s10, $0x1;
	s10 =	sld [smem:$0x3FBA]  }
0x3d: {  	_ =	shalt  }
0x3e: {  	_ =	shalt  }
0x3f: {  	_ =	shalt  }
0x40: {  	_ =	shalt  }
0x41: {  	_ =	shalt  }
0x42: {  	_ =	shalt  }
0x43: {  	_ =	shalt  }
0x44: {  	_ =	shalt  }
0x45: {  	_ =	shalt  }
0x46: {  	_ =	shalt  }
0x47: {  	_ =	shalt  }
0x48: {  	_ =	shalt  }
0x49: {  	_ =	shalt  }
0x4a: {  	_ =	shalt  }
0x4b: {  	_ =	shalt  }
0x4c: {  	_ =	shalt  }
0x4d: {  	_ =	shalt  }
0x4e: {  	_ =	shalt  }
0x4f: {  	_ =	shalt  }
0x50: {  	_ =	shalt  }
0x51: {  	_ =	shalt  }
0x52: {  	_ =	shalt  }
0x53: {  	_ =	shalt  }
0x54: {  	_ =	shalt  }
0x55: {  	_ =	shalt  }
0x56: {  	_ =	shalt  }
0x57: {  	_ =	shalt  }
0x58: {  	_ =	shalt  }
0x59: {  	_ =	shalt  }
0x5a: {  	_ =	shalt  }
0x5b: {  	_ =	shalt  }
0x5c: {  	_ =	shalt  }
0x5d: {  	_ =	shalt  }
0x5e: {  	_ =	shalt  }
0x5f: {  	_ =	shalt  }
0x60: {  	_ =	shalt  }
0x61: {  	_ =	shalt  }
0x62: {  	_ =	shalt  }
0x63: {  	_ =	shalt  }
0x64: {  	_ =	shalt  }
0x65: {  	_ =	shalt  }
0x66: {  	_ =	shalt  }
0x67: {  	_ =	shalt  }
0x68: {  	_ =	shalt  }
0x69: {  	_ =	shalt  }
0x6a: {  	_ =	shalt  }
0x6b: {  	_ =	shalt  }
0x6c: {  	_ =	shalt  }
0x6d: {  	_ =	shalt  }
0x6e: {  	_ =	shalt  }
0x6f: {  	_ =	shalt  }
0x70: {  	_ =	shalt  }
0x71: {  	_ =	shalt  }
0x72: {  	_ =	shalt  }
0x73: {  	_ =	shalt  }
0x74: {  	_ =	shalt  }
0x75: {  	_ =	shalt  }
0x76: {  	_ =	shalt  }
0x77: {  	_ =	shalt  }
0x78: {  	_ =	shalt  }
0x79: {  	_ =	shalt  }
0x7a: {  	_ =	shalt  }
0x7b: {  	_ =	shalt  }
0x7c: {  	_ =	shalt  }
0x7d: {  	_ =	shalt  }
0x7e: {  	_ =	shalt  }
0x7f: {  	_ =	shalt  }
0x80: {  	_ =	shalt  }
0x81: {  	_ =	shalt  }
0x82: {  	_ =	shalt  }
0x83: {  	_ =	shalt  }
0x84: {  	_ =	shalt  }
0x85: {  	_ =	shalt  }
0x86: {  	_ =	shalt  }
0x87: {  	_ =	shalt  }
.Lfunc_end0:
.L_simem_size_0:
called_computation_lowered:
.L_overlay_start_0:
0x88: {  	s2 =	sld [smem:$0x3FD9]  }
0x89: {  	s3 =	sld [smem:$0x3FFE];
	_ =	sdelay $0x1  }
0x8a: {  	s1 =	srdreg.scid  }
0x8b: {  	s0 =	sand.u32 $0x1, s1  }
0x8c: {  	s17 =	sshll.u32 s0, $0xA;
	s2 =	sadd.s32 s3, s2  }
0x8d: {  	s2 =	sadd.s32 s2, s17  }
0x8e: {  	[smem:$0x3FC6] =	sst s2  }
0x8f: {  	_ = 	snop  }
0x90: {  	s2 =	sld [smem:$0x3FC8]  }
0x91: {  	s18 =	sld [smem:$0x3FD0];
	(tm) =	ssettm $0x1  }
0x92: {  	s4 =	sld [smem:$0x3FFB];
	_ =	sdelay $0x3  }
0x93: {  	_ =	strace s4  }
0x94: {  	s4 =	sld [smem:$0x3FFC];
	_ =	sdelay $0x3  }
0x95: {  	_ =	strace s4  }
0x96: {  	s4 =	sld [smem:$0x3FFD];
	_ =	sdelay $0x3  }
0x97: {  	_ =	strace s4  }
0x98: {  	_ =	strace $0x8FFFFFFF  }
0x99: {  	s19 =	sld [smem:$0x3FDB];
	_ =	sdelay $0x1  }
0x9a: {  	s5 =	simm.s32 $_scs_section_size  }
0x9b: {  	s6 =	simm.s32 $_size__tile_overlayer_lowered;
	s7 =	simm.s32 $_tile_overlayer_lowered  }
0x9c: {  	s22 =	simm.s32 $0x1BFF;
	s21 =	sshll.u32 s7, $0x1;
	s4 =	sadd.s32 s5, s19  }
0x9d: {  	s8 =	simm.s32 $0x0;
	s20 =	sshll.u32 s6, $0x1;
	s6 =	sadd.s32 s21, s4  }
0x9e: {  	[timem:s8], [sflag:s22] =	dma.local [hbm:s6], s20  }
0x9f: {  	_ =	swait.ge [sflag:s22], s20  }
0xa0: {  	s5 =	ssub.s32 $0x0, s20;
	[sflag:s22] =	ssyncset.done $0x0  }
0xa1: {  	[sflag:s22] =	ssyncadd.s32 s5;
	_ =	sdelay $0x1  }
0xa2: {  	s23 =	simm.s32 $0x1B8B  }
0xa3: {  	_ =	swait.ge [sflag:s23], $0x1  }
0xa4: {  	[sflag:s23] =	ssyncset.done $0x0  }
0xa5: {  	s25 =	simm.s32 $0x1B8E;
	s24 =	sld [smem:$0x3FFE];
	[sflag:s23] =	ssyncadd.s32 $0xFFFFFFFF  }
0xa6: {  	s26 =	simm.s32 $execute0_lowered;
	[smem:$0x3FD2] =	sst s25  }
0xa7: {  	s6 =	sshll.u32 s26, $0x1;
	_ =	strace $0x80000046;
	[dreg:$0x1] =	wrdreg $0xFFFFFFFF  }
0xa8: {  	s28 =	simm.s32 $_size_execute0_lowered;
	s4 =	sadd.s32 s4, s6;
	[dreg:$0x0] =	wrdreg $0x0  }
0xa9: {  	s6 =	sshll.u32 s28, $0x1;
	[dreg:$0x2] =	wrdreg s4  }
0xaa: {  	[dreg:$0x3] =	wrdreg s6  }
0xab: {  	[dreg:$0x4] =	wrdreg $0xC0  }
0xac: {  	_ =	task [dreg:s8], $0x5FFFF  }
0xad: {  	[dreg:$0x1] =	wrdreg $0xFFFFFFFF  }
0xae: {  	[dreg:$0x0] =	wrdreg $0x60  }
0xaf: {  	[dreg:$0x2] =	wrdreg s24  }
0xb0: {  	[dreg:$0x3] =	wrdreg s2  }
0xb1: {  	[dreg:$0x4] =	wrdreg s18  }
0xb2: {  	[dreg:$0x5] =	wrdreg $0x9  }
0xb3: {  	_ =	task.clear_ibuf [dreg:s8], $0x6FFFF;
	_ =	strace $0x90000046  }
0xb4: {  	s29 =	simm.s32 $0x9;
	_ =	strace $0x80000048  }
0xb5: {  	_ =	swait.ge [sflag:s29], $0x1  }
0xb6: {  	[sflag:s29] =	ssyncadd.s32 $0xFFFFFFFF  }
0xb7: {  	_ =	strace $0x90000048  }
0xb8: {  	_ =	sfence  }
0xb9: {  	s30 =	sld [smem:$0x0];
	_ =	sdelay $0x2  }
0xba: {  	s31 =	sshll.u32 s1, $0xD;
	s1 =	sshrl.u32 s1, $0x2  }
0xbb: {  	s3 =	sand.u32 $0x4000, s31;
	s1 =	sadd.s32 s1, s30  }
0xbc: {  	s0 =	sor.u32 s3, s0;
	s1 =	sshll.u32 s1, $0x11  }
0xbd: {  	s0 =	sor.u32 s1, s0  }
0xbe: {  	s0 =	sadd.s32 $0x8F2B, s0  }
0xbf: {  	[sflag:s0] =	ssyncadd.remote.s32 $0x1  }
0xc0: {  	_ =	sfence.sel $0xFFFF  }
0xc1: {  	[dreg:$0x0] =	wrdreg $0xFFFFFFFF;
	(pc) =	sbr.abs _section_cstart, $3  }
0xc2: {  	[dreg:$0x1] =	wrdreg $0xFFFFFFFF  }
0xc3: {  	_ =	task.clear_ibuf [dreg:s8], $0x2FFFF;
	_ =	strace $0x9FFFFFFF  }
0xc4: {  	(tm) =	ssettm $0x7FFFFFFF  }
0xc5: {  	_ =	shalt  }
tec
execute0_lowered:
.L_overlay_start_1:
0x0: {  	(tag) =	ssettag $0x1  }
0x1: {  	s0 =	rddreg [dreg:$0x0];
	s1 =	srdreg.scid  }
0x2: {  	s10 =	stileid.u32;
	s2 =	rddreg [dreg:$0x1]  }
0x3: {  	s4 =	rddreg [dreg:$0x2];
	s28 =	simm.s32 $0xA000;
	s29 =	simm.s32 $0xC800  }
0x4: {  	s30 =	simm.s32 $0x16800;
	s11 =	simm.s32 $0x5;
	s12 =	simm.s32 $0x6  }
0x5: {  	s1 =	sand.u32 $0x1, s1;
	s3 =	sshll.u32 s10, $0x1;
	s19 =	smul.u32 $0x32000, s10  }
0x6: {  	s5 =	sor.u32 s1, s3;
	s7 =	ssub.s32 $0x2, s1;
	s1 =	smul.u32 $0x19000, s1  }
0x7: {  	s13 =	simm.s32 $0x7;
	s31 =	simm.s32 $0xC800;
	s6 =	smul.u32 $0x500, s5  }
0x8: {  	s10 =	simm.s32 $0x4;
	s3 =	simm.s32 $0x0;
	s8 =	smul.u32 $0x19000, s5  }
0x9: {  	[smem:$0x7FF] =	sst s3;
	s9 =	sshrl.u32 s7, $0x1;
	s5 =	smul.u32 $0xC8000, s5  }
0xa: {  	_ =	strace $0x80000047;
	s14 =	ssub.s32 s7, s9;
	s9 =	simm.s32 $0x3  }
0xb: {  	s0 =	sadd.s32 s6, s0;
	s15 =	sadd.s32 s4, s8;
	s17 =	sshrl.u32 s5, $0x3  }
0xc: {  	s25 =	smax.u32 s14, $0x1;
	s8 =	simm.s32 $0x2;
	[dreg:$0x4] =	wrdreg s15  }
0xd: {  	s14 =	simm.s32 $0x8;
	s0 =	sadd.s32 $0x400, s0;
	[dreg:$0xf] =	wrdreg s25  }
0xe: {  	s5 =	simm.s32 $0x0;
	s16 =	sadd.s32 $0x500, s15;
	[dreg:$0x5] =	wrdreg s0  }
0xf: {  	s18 =	sadd.s32 $0xA00, s15;
	s7 =	sadd.s32 $0xF00, s15;
	[dreg:$0x6] =	wrdreg s16  }
0x10: {  	s15 =	simm.s32 $0x9;
	[dreg:$0x7] =	wrdreg s18;
	s0 =	sadd.s32 s4, s17  }
0x11: {  	[dreg:$0x8] =	wrdreg s7;
	s4 =	sadd.s32 s19, s4;
	s20 =	sadd.s32 $0x1400, s0  }
0x12: {  	s18 =	simm.s32 $0x50;
	s21 =	sadd.s32 $0x1900, s0;
	[dreg:$0x9] =	wrdreg s20  }
0x13: {  	s7 =	simm.s32 $0x1;
	s22 =	sadd.s32 $0x1E00, s0;
	[dreg:$0xa] =	wrdreg s21  }
0x14: {  	s17 =	simm.s32 $0x11;
	s23 =	sadd.s32 $0x2300, s0;
	[dreg:$0xb] =	wrdreg s22  }
0x15: {  	s16 =	simm.s32 $0x12;
	s24 =	sadd.s32 $0x2800, s0;
	[dreg:$0xc] =	wrdreg s23  }
0x16: {  	s19 =	simm.s32 $0x13;
	s0 =	sadd.s32 $0x2D00, s0;
	[dreg:$0xd] =	wrdreg s24  }
0x17: {  	s1 =	sadd.s32 s1, s4;
	s4 =	simm.s32 $0xA;
	[dreg:$0xe] =	wrdreg s0  }
0x18: {  	s26 =	sadd.s32 $0x3200, s1;
	s1 =	simm.s32 $0x2800;
	s20 =	simm.s32 $0x5000  }
0x19: {  	s24 =	simm.s32 $0x7800;
	s0 =	simm.s32 $0xF000;
	s22 =	simm.s32 $0x11800  }
0x1a: {  	s21 =	simm.s32 $0x14;
	[dreg:$0x10] =	wrdreg s26;
	s26 =	simm.s32 $0x14000  }
.LBB2_1:
0x1b: {  	[dreg:$0x11] =	wrdreg s5  }
0x1c: {  	s23 =	rddreg [dreg:$0x5];
	s25 =	simm.s32 $0x15  }
0x1d: {  	[tilespmem:s3], [sflag:$0x15] =	stream.linear.gather [hbm4b:s23+s3], $0x2800, $0x38;
	[tilespmem:$0x1B800] =	vst v63  }
0x1e: {  	_ =	swait.ge [sflag:s25], $0x2800  }
0x1f: {  	[sflag:s25] =	ssyncset.done $0x0  }
0x20: {  	[sflag:s25] =	ssyncadd.s32 $0xFFFFD800  }
0x21: {  	[tilespmem:s1], [sflag:$0x1] =	stream.indirect.gather [hbm4b:s2+s18], $0x80, s3, s18, $0xb8;
	[tilespmem:$0x1B800] =	vst v63  }
0x22: {  	s5 =	simm.s32 $0x80  }
0x23: {  	[tilespmem:s20], [sflag:$0x2] =	stream.indirect.gather [hbm4b:s2+s18], $0x80, s5, s18, $0xb8;
	[tilespmem:$0x1B800] =	vst v63  }
0x24: {  	s6 =	simm.s32 $0x100  }
0x25: {  	[tilespmem:s24], [sflag:$0x3] =	stream.indirect.gather [hbm4b:s2+s18], $0x80, s6, s18, $0xb8;
	[tilespmem:$0x1B800] =	vst v63  }
0x26: {  	s25 =	simm.s32 $0x180  }
0x27: {  	[tilespmem:s28], [sflag:$0x4] =	stream.indirect.gather [hbm4b:s2+s18], $0x80, s25, s18, $0xb8;
	[tilespmem:$0x1B800] =	vst v63  }
0x28: {  	s5 =	simm.s32 $0x200  }
0x29: {  	[tilespmem:s29], [sflag:$0x5] =	stream.indirect.gather [hbm4b:s2+s18], $0x80, s5, s18, $0xb8;
	[tilespmem:$0x1B800] =	vst v63  }
0x2a: {  	s6 =	simm.s32 $0x280  }
0x2b: {  	[tilespmem:s0], [sflag:$0x6] =	stream.indirect.gather [hbm4b:s2+s18], $0x80, s6, s18, $0xb8;
	[tilespmem:$0x1B800] =	vst v63  }
0x2c: {  	s25 =	simm.s32 $0x300  }
0x2d: {  	[tilespmem:s22], [sflag:$0x7] =	stream.indirect.gather [hbm4b:s2+s18], $0x80, s25, s18, $0xb8;
	[tilespmem:$0x1B800] =	vst v63  }
0x2e: {  	s5 =	simm.s32 $0x380  }
0x2f: {  	[tilespmem:s26], [sflag:$0x8] =	stream.indirect.gather [hbm4b:s2+s18], $0x80, s5, s18, $0xb8;
	[tilespmem:$0x1B800] =	vst v63  }
0x30: {  	s6 =	simm.s32 $0x400  }
0x31: {  	[tilespmem:s30], [sflag:$0x9] =	stream.indirect.gather [hbm4b:s2+s18], $0x80, s6, s18, $0xb8;
	[tilespmem:$0x1B800] =	vst v63  }
0x32: {  	s23 =	simm.s32 $0x480;
	s6 =	simm.s32 $0x19000  }
0x33: {  	[tilespmem:s6], [sflag:$0xA] =	stream.indirect.gather [hbm4b:s2+s18], $0x80, s23, s18, $0xb8;
	[tilespmem:$0x1B800] =	vst v63  }
0x34: {  	_ =	swait.ge [sflag:s7], $0x2800  }
0x35: {  	[sflag:s7] =	ssyncset.done $0x0  }
0x36: {  	s25 =	rddreg [dreg:$0x4];
	[sflag:s7] =	ssyncadd.s32 $0xFFFFD800  }
0x37: {  	[hbm4b:s25+s3] =	stream.linear.scatter [tilespmem:s1], [sflag:$0xB], $0x2800, $0x38;
	[tilespmem:$0x1B800] =	vst v63  }
0x38: {  	_ =	swait.ge [sflag:s8], $0x2800  }
0x39: {  	[sflag:s8] =	ssyncset.done $0x0  }
0x3a: {  	s5 =	rddreg [dreg:$0x6];
	[sflag:s8] =	ssyncadd.s32 $0xFFFFD800  }
0x3b: {  	[hbm4b:s5+s3] =	stream.linear.scatter [tilespmem:s20], [sflag:$0xC], $0x2800, $0x38;
	[tilespmem:$0x1B800] =	vst v63  }
0x3c: {  	_ =	swait.ge [sflag:s9], $0x2800  }
0x3d: {  	[sflag:s9] =	ssyncset.done $0x0  }
0x3e: {  	s25 =	rddreg [dreg:$0x7];
	[sflag:s9] =	ssyncadd.s32 $0xFFFFD800  }
0x3f: {  	[hbm4b:s25+s3] =	stream.linear.scatter [tilespmem:s24], [sflag:$0xD], $0x2800, $0x38;
	[tilespmem:$0x1B800] =	vst v63  }
0x40: {  	_ =	swait.ge [sflag:s10], $0x2800  }
0x41: {  	[sflag:s10] =	ssyncset.done $0x0  }
0x42: {  	s5 =	rddreg [dreg:$0x8];
	[sflag:s10] =	ssyncadd.s32 $0xFFFFD800  }
0x43: {  	[hbm4b:s5+s3] =	stream.linear.scatter [tilespmem:s28], [sflag:$0xE], $0x2800, $0x38;
	[tilespmem:$0x1B800] =	vst v63  }
0x44: {  	_ =	swait.ge [sflag:s11], $0x2800  }
0x45: {  	[sflag:s11] =	ssyncset.done $0x0  }
0x46: {  	s25 =	rddreg [dreg:$0x9];
	[sflag:s11] =	ssyncadd.s32 $0xFFFFD800  }
0x47: {  	[hbm4b:s25+s3] =	stream.linear.scatter [tilespmem:s29], [sflag:$0xF], $0x2800, $0x38;
	[tilespmem:$0x1B800] =	vst v63  }
0x48: {  	_ =	swait.ge [sflag:s12], $0x2800  }
0x49: {  	[sflag:s12] =	ssyncset.done $0x0  }
0x4a: {  	s5 =	rddreg [dreg:$0xa];
	[sflag:s12] =	ssyncadd.s32 $0xFFFFD800  }
0x4b: {  	[hbm4b:s5+s3] =	stream.linear.scatter [tilespmem:s0], [sflag:$0x10], $0x2800, $0x38;
	[tilespmem:$0x1B800] =	vst v63  }
0x4c: {  	_ =	swait.ge [sflag:s13], $0x2800  }
0x4d: {  	[sflag:s13] =	ssyncset.done $0x0  }
0x4e: {  	s25 =	rddreg [dreg:$0xb];
	[sflag:s13] =	ssyncadd.s32 $0xFFFFD800  }
0x4f: {  	[hbm4b:s25+s3] =	stream.linear.scatter [tilespmem:s22], [sflag:$0x11], $0x2800, $0x38;
	[tilespmem:$0x1B800] =	vst v63  }
0x50: {  	_ =	swait.ge [sflag:s14], $0x2800  }
0x51: {  	[sflag:s14] =	ssyncset.done $0x0  }
0x52: {  	s5 =	rddreg [dreg:$0xc];
	[sflag:s14] =	ssyncadd.s32 $0xFFFFD800  }
0x53: {  	[hbm4b:s5+s3] =	stream.linear.scatter [tilespmem:s26], [sflag:$0x12], $0x2800, $0x38;
	[tilespmem:$0x1B800] =	vst v63  }
0x54: {  	_ =	swait.ge [sflag:s15], $0x2800  }
0x55: {  	[sflag:s15] =	ssyncset.done $0x0  }
0x56: {  	s25 =	rddreg [dreg:$0xd];
	[sflag:s15] =	ssyncadd.s32 $0xFFFFD800  }
0x57: {  	[hbm4b:s25+s3] =	stream.linear.scatter [tilespmem:s30], [sflag:$0x13], $0x2800, $0x38;
	[tilespmem:$0x1B800] =	vst v63  }
0x58: {  	_ =	swait.ge [sflag:s4], $0x2800  }
0x59: {  	[sflag:s4] =	ssyncset.done $0x0  }
0x5a: {  	s25 =	simm.s32 $0xB;
	s5 =	rddreg [dreg:$0xe];
	[sflag:s4] =	ssyncadd.s32 $0xFFFFD800  }
0x5b: {  	[hbm4b:s5+s3] =	stream.linear.scatter [tilespmem:s6], [sflag:$0x14], $0x2800, $0x38;
	[tilespmem:$0x1B800] =	vst v63  }
0x5c: {  	_ =	swait.ge [sflag:s25], $0x2800  }
0x5d: {  	[sflag:s25] =	ssyncset.done $0x0  }
0x5e: {  	s5 =	simm.s32 $0x500;
	[sflag:s25] =	ssyncadd.s32 $0xFFFFD800;
	s25 =	simm.s32 $0xC  }
0x5f: {  	[tilespmem:s1], [sflag:$0x1] =	stream.indirect.gather [hbm4b:s2+s18], $0x80, s5, s18, $0xb8;
	[tilespmem:$0x1B800] =	vst v63  }
0x60: {  	_ =	swait.ge [sflag:s25], $0x2800  }
0x61: {  	[sflag:s25] =	ssyncset.done $0x0  }
0x62: {  	s5 =	simm.s32 $0x580;
	[sflag:s25] =	ssyncadd.s32 $0xFFFFD800;
	s25 =	simm.s32 $0xD  }
0x63: {  	[tilespmem:s20], [sflag:$0x2] =	stream.indirect.gather [hbm4b:s2+s18], $0x80, s5, s18, $0xb8;
	[tilespmem:$0x1B800] =	vst v63  }
0x64: {  	_ =	swait.ge [sflag:s25], $0x2800  }
0x65: {  	[sflag:s25] =	ssyncset.done $0x0  }
0x66: {  	s5 =	simm.s32 $0x600;
	[sflag:s25] =	ssyncadd.s32 $0xFFFFD800;
	s25 =	simm.s32 $0xE  }
0x67: {  	[tilespmem:s24], [sflag:$0x3] =	stream.indirect.gather [hbm4b:s2+s18], $0x80, s5, s18, $0xb8;
	[tilespmem:$0x1B800] =	vst v63  }
0x68: {  	_ =	swait.ge [sflag:s25], $0x2800  }
0x69: {  	[sflag:s25] =	ssyncset.done $0x0  }
0x6a: {  	s5 =	simm.s32 $0x680;
	[sflag:s25] =	ssyncadd.s32 $0xFFFFD800;
	s25 =	simm.s32 $0xF  }
0x6b: {  	[tilespmem:s28], [sflag:$0x4] =	stream.indirect.gather [hbm4b:s2+s18], $0x80, s5, s18, $0xb8;
	[tilespmem:$0x1B800] =	vst v63  }
0x6c: {  	_ =	swait.ge [sflag:s25], $0x2800  }
0x6d: {  	[sflag:s25] =	ssyncset.done $0x0  }
0x6e: {  	s5 =	simm.s32 $0x700;
	[sflag:s25] =	ssyncadd.s32 $0xFFFFD800;
	s25 =	simm.s32 $0x10  }
0x6f: {  	[tilespmem:s29], [sflag:$0x5] =	stream.indirect.gather [hbm4b:s2+s18], $0x80, s5, s18, $0xb8;
	[tilespmem:$0x1B800] =	vst v63  }
0x70: {  	_ =	swait.ge [sflag:s25], $0x2800  }
0x71: {  	[sflag:s25] =	ssyncset.done $0x0  }
0x72: {  	s5 =	simm.s32 $0x780;
	[sflag:s25] =	ssyncadd.s32 $0xFFFFD800  }
0x73: {  	[tilespmem:s0], [sflag:$0x6] =	stream.indirect.gather [hbm4b:s2+s18], $0x80, s5, s18, $0xb8;
	[tilespmem:$0x1B800] =	vst v63  }
0x74: {  	_ =	swait.ge [sflag:s17], $0x2800  }
0x75: {  	[sflag:s17] =	ssyncset.done $0x0  }
0x76: {  	s25 =	simm.s32 $0x800;
	[sflag:s17] =	ssyncadd.s32 $0xFFFFD800  }
0x77: {  	[tilespmem:s22], [sflag:$0x7] =	stream.indirect.gather [hbm4b:s2+s18], $0x80, s25, s18, $0xb8;
	[tilespmem:$0x1B800] =	vst v63  }
0x78: {  	_ =	swait.ge [sflag:s16], $0x2800  }
0x79: {  	[sflag:s16] =	ssyncset.done $0x0  }
0x7a: {  	s5 =	simm.s32 $0x880;
	[sflag:s16] =	ssyncadd.s32 $0xFFFFD800  }
0x7b: {  	[tilespmem:s26], [sflag:$0x8] =	stream.indirect.gather [hbm4b:s2+s18], $0x80, s5, s18, $0xb8;
	[tilespmem:$0x1B800] =	vst v63  }
0x7c: {  	_ =	swait.ge [sflag:s19], $0x2800  }
0x7d: {  	[sflag:s19] =	ssyncset.done $0x0  }
0x7e: {  	s25 =	simm.s32 $0x900;
	[sflag:s19] =	ssyncadd.s32 $0xFFFFD800  }
0x7f: {  	[tilespmem:s30], [sflag:$0x9] =	stream.indirect.gather [hbm4b:s2+s18], $0x80, s25, s18, $0xb8;
	[tilespmem:$0x1B800] =	vst v63  }
0x80: {  	_ =	swait.ge [sflag:s21], $0x2800  }
0x81: {  	[sflag:s21] =	ssyncset.done $0x0  }
0x82: {  	s5 =	simm.s32 $0x980;
	[sflag:s21] =	ssyncadd.s32 $0xFFFFD800  }
0x83: {  	[tilespmem:s6], [sflag:$0xA] =	stream.indirect.gather [hbm4b:s2+s18], $0x80, s5, s18, $0xb8;
	[tilespmem:$0x1B800] =	vst v63  }
0x84: {  	_ =	swait.ge [sflag:s7], $0x2800  }
0x85: {  	[sflag:s7] =	ssyncset.done $0x0  }
0x86: {  	s25 =	rddreg [dreg:$0x10];
	[sflag:s7] =	ssyncadd.s32 $0xFFFFD800  }
0x87: {  	[hbm4b:s25+s3] =	stream.linear.scatter [tilespmem:s1], [sflag:$0xB], $0x2800, $0x38;
	[tilespmem:$0x1B800] =	vst v63  }
0x88: {  	_ =	swait.ge [sflag:s8], $0x2800  }
0x89: {  	[sflag:s8] =	ssyncset.done $0x0  }
0x8a: {  	[sflag:s8] =	ssyncadd.s32 $0xFFFFD800;
	s8 =	sadd.s32 $0x500, s25  }
0x8b: {  	[hbm4b:s8+s3] =	stream.linear.scatter [tilespmem:s20], [sflag:$0xC], $0x2800, $0x38;
	[tilespmem:$0x1B800] =	vst v63  }
0x8c: {  	_ =	swait.ge [sflag:s9], $0x2800  }
0x8d: {  	[sflag:s9] =	ssyncset.done $0x0  }
0x8e: {  	[sflag:s9] =	ssyncadd.s32 $0xFFFFD800;
	s9 =	sadd.s32 $0xA00, s25  }
0x8f: {  	[hbm4b:s9+s3] =	stream.linear.scatter [tilespmem:s24], [sflag:$0xD], $0x2800, $0x38;
	[tilespmem:$0x1B800] =	vst v63  }
0x90: {  	_ =	swait.ge [sflag:s10], $0x2800  }
0x91: {  	[sflag:s10] =	ssyncset.done $0x0  }
0x92: {  	[sflag:s10] =	ssyncadd.s32 $0xFFFFD800;
	s10 =	sadd.s32 $0xF00, s25  }
0x93: {  	[hbm4b:s10+s3] =	stream.linear.scatter [tilespmem:s28], [sflag:$0xE], $0x2800, $0x38;
	[tilespmem:$0x1B800] =	vst v63  }
0x94: {  	_ =	swait.ge [sflag:s11], $0x2800  }
0x95: {  	[sflag:s11] =	ssyncset.done $0x0  }
0x96: {  	[sflag:s11] =	ssyncadd.s32 $0xFFFFD800;
	s11 =	sadd.s32 $0x1400, s25  }
0x97: {  	[hbm4b:s11+s3] =	stream.linear.scatter [tilespmem:s29], [sflag:$0xF], $0x2800, $0x38;
	[tilespmem:$0x1B800] =	vst v63  }
0x98: {  	_ =	swait.ge [sflag:s12], $0x2800  }
0x99: {  	[sflag:s12] =	ssyncset.done $0x0  }
0x9a: {  	[sflag:s12] =	ssyncadd.s32 $0xFFFFD800;
	s12 =	sadd.s32 $0x1900, s25  }
0x9b: {  	[hbm4b:s12+s3] =	stream.linear.scatter [tilespmem:s0], [sflag:$0x10], $0x2800, $0x38;
	[tilespmem:$0x1B800] =	vst v63  }
0x9c: {  	s23 =	simm.s32 $0x1400;
	_ =	swait.ge [sflag:s13], $0x2800  }
0x9d: {  	s7 =	simm.s32 $0x1;
	s1 =	simm.s32 $0x2800;
	[sflag:s13] =	ssyncset.done $0x0  }
0x9e: {  	s20 =	sadd.s32 $0x1E00, s25;
	s8 =	simm.s32 $0x2;
	[sflag:s13] =	ssyncadd.s32 $0xFFFFD800  }
0x9f: {  	[hbm4b:s20+s3] =	stream.linear.scatter [tilespmem:s22], [sflag:$0x11], $0x2800, $0x38;
	[tilespmem:$0x1B800] =	vst v63  }
0xa0: {  	s24 =	sadd.s32 $0x2300, s25;
	s9 =	simm.s32 $0x3;
	_ =	swait.ge [sflag:s14], $0x2800  }
0xa1: {  	s10 =	simm.s32 $0x4;
	s28 =	sadd.s32 $0x2D00, s25;
	[sflag:s14] =	ssyncset.done $0x0  }
0xa2: {  	s11 =	simm.s32 $0x5;
	s29 =	simm.s32 $0xA000;
	[sflag:s14] =	ssyncadd.s32 $0xFFFFD800  }
0xa3: {  	[hbm4b:s24+s3] =	stream.linear.scatter [tilespmem:s26], [sflag:$0x12], $0x2800, $0x38;
	[tilespmem:$0x1B800] =	vst v63  }
0xa4: {  	s0 =	simm.s32 $0xF000;
	s12 =	simm.s32 $0x6;
	_ =	swait.ge [sflag:s15], $0x2800  }
0xa5: {  	s13 =	simm.s32 $0x7;
	s20 =	simm.s32 $0x5000;
	[sflag:s15] =	ssyncset.done $0x0  }
0xa6: {  	s22 =	simm.s32 $0x11800;
	s26 =	sadd.s32 $0x2800, s25;
	[sflag:s15] =	ssyncadd.s32 $0xFFFFD800  }
0xa7: {  	[hbm4b:s26+s3] =	stream.linear.scatter [tilespmem:s30], [sflag:$0x13], $0x2800, $0x38;
	[tilespmem:$0x1B800] =	vst v63  }
0xa8: {  	s14 =	simm.s32 $0x8;
	s24 =	simm.s32 $0x7800;
	_ =	swait.ge [sflag:s4], $0x2800  }
0xa9: {  	s25 =	sadd.s32 $0x3200, s25;
	s15 =	simm.s32 $0x9;
	[sflag:s4] =	ssyncset.done $0x0  }
0xaa: {  	s26 =	simm.s32 $0x14000;
	[sflag:s4] =	ssyncadd.s32 $0xFFFFD800;
	s4 =	simm.s32 $0xA  }
.LBB2_2:
0xab: {  	s6 =	simm.s32 $0x19000  }
0xac: {  	[hbm4b:s28+s3] =	stream.linear.scatter [tilespmem:s6], [sflag:$0x14], $0x2800, $0x38;
	[tilespmem:$0x1B800] =	vst v63  }
0xad: {  	s5 =	simm.s32 $0xB;
	s28 =	smov.u32 s23  }
0xae: {  	p0 =	sne.s32 s23, $0x7800;
	s23 =	sadd.s32 $0x1400, s23;
	_ =	swait.ge [sflag:s5], $0x2800  }
0xaf: {  	s28 =	sshra.s32 s28, $0x2;
	[sflag:s5] =	ssyncset.done $0x0  }
0xb0: {  	s30 =	sadd.s32 $0x500, s28;
	[sflag:s5] =	ssyncadd.s32 $0xFFFFD800;
	s5 =	simm.s32 $0x16800  }
0xb1: {  	[tilespmem:s1], [sflag:$0x1] =	stream.indirect.gather [hbm4b:s2+s18], $0x80, s30, s18, $0xb8;
	[tilespmem:$0x1B800] =	vst v63  }
0xb2: {  	s30 =	simm.s32 $0xC  }
0xb3: {  	_ =	swait.ge [sflag:s30], $0x2800  }
0xb4: {  	[sflag:s30] =	ssyncset.done $0x0  }
0xb5: {  	[sflag:s30] =	ssyncadd.s32 $0xFFFFD800;
	s30 =	sadd.s32 $0x580, s28  }
0xb6: {  	[tilespmem:s20], [sflag:$0x2] =	stream.indirect.gather [hbm4b:s2+s18], $0x80, s30, s18, $0xb8;
	[tilespmem:$0x1B800] =	vst v63  }
0xb7: {  	s30 =	simm.s32 $0xD  }
0xb8: {  	_ =	swait.ge [sflag:s30], $0x2800  }
0xb9: {  	[sflag:s30] =	ssyncset.done $0x0  }
0xba: {  	[sflag:s30] =	ssyncadd.s32 $0xFFFFD800;
	s30 =	sadd.s32 $0x600, s28  }
0xbb: {  	[tilespmem:s24], [sflag:$0x3] =	stream.indirect.gather [hbm4b:s2+s18], $0x80, s30, s18, $0xb8;
	[tilespmem:$0x1B800] =	vst v63  }
0xbc: {  	s30 =	simm.s32 $0xE  }
0xbd: {  	_ =	swait.ge [sflag:s30], $0x2800  }
0xbe: {  	[sflag:s30] =	ssyncset.done $0x0  }
0xbf: {  	[sflag:s30] =	ssyncadd.s32 $0xFFFFD800;
	s30 =	sadd.s32 $0x680, s28  }
0xc0: {  	[tilespmem:s29], [sflag:$0x4] =	stream.indirect.gather [hbm4b:s2+s18], $0x80, s30, s18, $0xb8;
	[tilespmem:$0x1B800] =	vst v63  }
0xc1: {  	s30 =	simm.s32 $0xF  }
0xc2: {  	_ =	swait.ge [sflag:s30], $0x2800  }
0xc3: {  	[sflag:s30] =	ssyncset.done $0x0  }
0xc4: {  	[sflag:s30] =	ssyncadd.s32 $0xFFFFD800;
	s30 =	sadd.s32 $0x700, s28  }
0xc5: {  	[tilespmem:s31], [sflag:$0x5] =	stream.indirect.gather [hbm4b:s2+s18], $0x80, s30, s18, $0xb8;
	[tilespmem:$0x1B800] =	vst v63  }
0xc6: {  	s30 =	simm.s32 $0x10  }
0xc7: {  	_ =	swait.ge [sflag:s30], $0x2800  }
0xc8: {  	[sflag:s30] =	ssyncset.done $0x0  }
0xc9: {  	[sflag:s30] =	ssyncadd.s32 $0xFFFFD800;
	s30 =	sadd.s32 $0x780, s28  }
0xca: {  	[tilespmem:s0], [sflag:$0x6] =	stream.indirect.gather [hbm4b:s2+s18], $0x80, s30, s18, $0xb8;
	[tilespmem:$0x1B800] =	vst v63  }
0xcb: {  	_ =	swait.ge [sflag:s17], $0x2800  }
0xcc: {  	[sflag:s17] =	ssyncset.done $0x0  }
0xcd: {  	s30 =	sadd.s32 $0x800, s28;
	[sflag:s17] =	ssyncadd.s32 $0xFFFFD800  }
0xce: {  	[tilespmem:s22], [sflag:$0x7] =	stream.indirect.gather [hbm4b:s2+s18], $0x80, s30, s18, $0xb8;
	[tilespmem:$0x1B800] =	vst v63  }
0xcf: {  	_ =	swait.ge [sflag:s16], $0x2800  }
0xd0: {  	[sflag:s16] =	ssyncset.done $0x0  }
0xd1: {  	s30 =	sadd.s32 $0x880, s28;
	[sflag:s16] =	ssyncadd.s32 $0xFFFFD800  }
0xd2: {  	[tilespmem:s26], [sflag:$0x8] =	stream.indirect.gather [hbm4b:s2+s18], $0x80, s30, s18, $0xb8;
	[tilespmem:$0x1B800] =	vst v63  }
0xd3: {  	_ =	swait.ge [sflag:s19], $0x2800  }
0xd4: {  	[sflag:s19] =	ssyncset.done $0x0  }
0xd5: {  	s30 =	sadd.s32 $0x900, s28;
	[sflag:s19] =	ssyncadd.s32 $0xFFFFD800  }
0xd6: {  	[tilespmem:s5], [sflag:$0x9] =	stream.indirect.gather [hbm4b:s2+s18], $0x80, s30, s18, $0xb8;
	[tilespmem:$0x1B800] =	vst v63  }
0xd7: {  	s30 =	simm.s32 $0x16800  }
0xd8: {  	_ =	swait.ge [sflag:s21], $0x2800  }
0xd9: {  	[sflag:s21] =	ssyncset.done $0x0  }
0xda: {  	s28 =	sadd.s32 $0x980, s28;
	s5 =	simm.s32 $0x19000;
	[sflag:s21] =	ssyncadd.s32 $0xFFFFD800  }
0xdb: {  	[tilespmem:s6], [sflag:$0xA] =	stream.indirect.gather [hbm4b:s2+s18], $0x80, s28, s18, $0xb8;
	[tilespmem:$0x1B800] =	vst v63  }
0xdc: {  	_ =	swait.ge [sflag:s7], $0x2800  }
0xdd: {  	[sflag:s7] =	ssyncset.done $0x0  }
0xde: {  	[sflag:s7] =	ssyncadd.s32 $0xFFFFD800  }
0xdf: {  	[hbm4b:s25+s3] =	stream.linear.scatter [tilespmem:s1], [sflag:$0xB], $0x2800, $0x38;
	[tilespmem:$0x1B800] =	vst v63  }
0xe0: {  	_ =	swait.ge [sflag:s8], $0x2800  }
0xe1: {  	[sflag:s8] =	ssyncset.done $0x0  }
0xe2: {  	s28 =	sadd.s32 $0x500, s25;
	[sflag:s8] =	ssyncadd.s32 $0xFFFFD800  }
0xe3: {  	[hbm4b:s28+s3] =	stream.linear.scatter [tilespmem:s20], [sflag:$0xC], $0x2800, $0x38;
	[tilespmem:$0x1B800] =	vst v63  }
0xe4: {  	_ =	swait.ge [sflag:s9], $0x2800  }
0xe5: {  	[sflag:s9] =	ssyncset.done $0x0  }
0xe6: {  	s28 =	sadd.s32 $0xA00, s25;
	[sflag:s9] =	ssyncadd.s32 $0xFFFFD800  }
0xe7: {  	[hbm4b:s28+s3] =	stream.linear.scatter [tilespmem:s24], [sflag:$0xD], $0x2800, $0x38;
	[tilespmem:$0x1B800] =	vst v63  }
0xe8: {  	_ =	swait.ge [sflag:s10], $0x2800  }
0xe9: {  	[sflag:s10] =	ssyncset.done $0x0  }
0xea: {  	s28 =	sadd.s32 $0xF00, s25;
	[sflag:s10] =	ssyncadd.s32 $0xFFFFD800  }
0xeb: {  	[hbm4b:s28+s3] =	stream.linear.scatter [tilespmem:s29], [sflag:$0xE], $0x2800, $0x38;
	[tilespmem:$0x1B800] =	vst v63  }
0xec: {  	_ =	swait.ge [sflag:s11], $0x2800  }
0xed: {  	[sflag:s11] =	ssyncset.done $0x0  }
0xee: {  	s28 =	sadd.s32 $0x1400, s25;
	[sflag:s11] =	ssyncadd.s32 $0xFFFFD800  }
0xef: {  	[hbm4b:s28+s3] =	stream.linear.scatter [tilespmem:s31], [sflag:$0xF], $0x2800, $0x38;
	[tilespmem:$0x1B800] =	vst v63  }
0xf0: {  	_ =	swait.ge [sflag:s12], $0x2800  }
0xf1: {  	[sflag:s12] =	ssyncset.done $0x0  }
0xf2: {  	s28 =	sadd.s32 $0x1900, s25;
	[sflag:s12] =	ssyncadd.s32 $0xFFFFD800  }
0xf3: {  	[hbm4b:s28+s3] =	stream.linear.scatter [tilespmem:s0], [sflag:$0x10], $0x2800, $0x38;
	[tilespmem:$0x1B800] =	vst v63  }
0xf4: {  	_ =	swait.ge [sflag:s13], $0x2800  }
0xf5: {  	[sflag:s13] =	ssyncset.done $0x0  }
0xf6: {  	s28 =	sadd.s32 $0x1E00, s25;
	[sflag:s13] =	ssyncadd.s32 $0xFFFFD800  }
0xf7: {  	[hbm4b:s28+s3] =	stream.linear.scatter [tilespmem:s22], [sflag:$0x11], $0x2800, $0x38;
	[tilespmem:$0x1B800] =	vst v63  }
0xf8: {  	_ =	swait.ge [sflag:s14], $0x2800  }
0xf9: {  	[sflag:s14] =	ssyncset.done $0x0  }
0xfa: {  	s28 =	sadd.s32 $0x2300, s25;
	[sflag:s14] =	ssyncadd.s32 $0xFFFFD800  }
0xfb: {  	[hbm4b:s28+s3] =	stream.linear.scatter [tilespmem:s26], [sflag:$0x12], $0x2800, $0x38;
	[tilespmem:$0x1B800] =	vst v63  }
0xfc: {  	_ =	swait.ge [sflag:s15], $0x2800  }
0xfd: {  	[sflag:s15] =	ssyncset.done $0x0  }
.Ltmp0:
0xfe: {  	s28 =	sadd.s32 $0x2800, s25;
	[sflag:s15] =	ssyncadd.s32 $0xFFFFD800;
	(pc) =	sbr.rel @p0 .LBB2_2-.Ltmp0, $4  }
0xff: {  	[hbm4b:s28+s3] =	stream.linear.scatter [tilespmem:s30], [sflag:$0x13], $0x2800, $0x38;
	[tilespmem:$0x1B800] =	vst v63  }
0x100: {  	_ =	swait.ge [sflag:s4], $0x2800  }
0x101: {  	[sflag:s4] =	ssyncset.done $0x0  }
0x102: {  	s28 =	sadd.s32 $0x2D00, s25;
	s25 =	sadd.s32 $0x3200, s25;
	[sflag:s4] =	ssyncadd.s32 $0xFFFFD800  }
0x103: {  	[hbm4b:s28+s3] =	stream.linear.scatter [tilespmem:s5], [sflag:$0x14], $0x2800, $0x38;
	[tilespmem:$0x1B800] =	vst v63  }
0x104: {  	s0 =	simm.s32 $0xB  }
0x105: {  	_ =	swait.ge [sflag:s0], $0x2800  }
0x106: {  	[sflag:s0] =	ssyncset.done $0x0  }
0x107: {  	s20 =	simm.s32 $0xC;
	[sflag:s0] =	ssyncadd.s32 $0xFFFFD800  }
0x108: {  	_ =	swait.ge [sflag:s20], $0x2800  }
0x109: {  	[sflag:s20] =	ssyncset.done $0x0  }
0x10a: {  	s22 =	simm.s32 $0xD;
	[sflag:s20] =	ssyncadd.s32 $0xFFFFD800  }
0x10b: {  	_ =	swait.ge [sflag:s22], $0x2800  }
0x10c: {  	[sflag:s22] =	ssyncset.done $0x0  }
0x10d: {  	s23 =	simm.s32 $0xE;
	[sflag:s22] =	ssyncadd.s32 $0xFFFFD800  }
0x10e: {  	_ =	swait.ge [sflag:s23], $0x2800  }
0x10f: {  	[sflag:s23] =	ssyncset.done $0x0  }
0x110: {  	s24 =	simm.s32 $0xF;
	[sflag:s23] =	ssyncadd.s32 $0xFFFFD800  }
0x111: {  	_ =	swait.ge [sflag:s24], $0x2800  }
0x112: {  	[sflag:s24] =	ssyncset.done $0x0  }
0x113: {  	s25 =	simm.s32 $0x10;
	[sflag:s24] =	ssyncadd.s32 $0xFFFFD800  }
0x114: {  	_ =	swait.ge [sflag:s25], $0x2800  }
0x115: {  	[sflag:s25] =	ssyncset.done $0x0  }
0x116: {  	[sflag:s25] =	ssyncadd.s32 $0xFFFFD800  }
0x117: {  	_ =	swait.ge [sflag:s17], $0x2800  }
0x118: {  	[sflag:s17] =	ssyncset.done $0x0  }
0x119: {  	[sflag:s17] =	ssyncadd.s32 $0xFFFFD800  }
0x11a: {  	_ =	swait.ge [sflag:s16], $0x2800  }
0x11b: {  	[sflag:s16] =	ssyncset.done $0x0  }
0x11c: {  	[sflag:s16] =	ssyncadd.s32 $0xFFFFD800  }
0x11d: {  	_ =	swait.ge [sflag:s19], $0x2800  }
0x11e: {  	[sflag:s19] =	ssyncset.done $0x0  }
0x11f: {  	[sflag:s19] =	ssyncadd.s32 $0xFFFFD800  }
0x120: {  	s1 =	simm.s32 $0x2800;
	_ =	swait.ge [sflag:s21], $0x2800  }
0x121: {  	s28 =	simm.s32 $0xA000;
	s29 =	simm.s32 $0xC800;
	s26 =	rddreg [dreg:$0x11]  }
0x122: {  	s7 =	simm.s32 $0x1;
	s23 =	rddreg [dreg:$0xf];
	s5 =	sadd.s32 $0x1, s26  }
0x123: {  	s8 =	simm.s32 $0x2;
	s9 =	simm.s32 $0x3;
	p0 =	sne.s32 s5, s23  }
.Ltmp1:
0x124: {  	s10 =	simm.s32 $0x4;
	s11 =	simm.s32 $0x5;
	(pc) =	sbr.rel @p0 .LBB2_1-.Ltmp1, $4  }
0x125: {  	s12 =	simm.s32 $0x6;
	s13 =	simm.s32 $0x7;
	s14 =	simm.s32 $0x8  }
0x126: {  	s15 =	simm.s32 $0x9;
	s4 =	simm.s32 $0xA;
	s0 =	simm.s32 $0xF000  }
0x127: {  	s20 =	simm.s32 $0x5000;
	s22 =	simm.s32 $0x11800;
	[sflag:s21] =	ssyncset.done $0x0  }
0x128: {  	s24 =	simm.s32 $0x7800;
	[sflag:s21] =	ssyncadd.s32 $0xFFFFD800;
	s26 =	simm.s32 $0x14000  }
0x129: {  	_ =	sfence.sel $0x180000  }
0x12a: {  	[bflag:$0x0] =	sbarrier.arrive $0xFFFF  }
0x12b: {  	_ =	strace $0x90000047  }
0x12c: {  	s0 =	stileid.u32;
	[bflag:$0x2] =	sbarrier.arrive $0xFFFF  }
0x12d: {  	p0 =	sne.s32 s0, $0x0;
	s0 =	rddreg [dreg:$0x3]  }
0x12e: {  	s0 =	sadd.s32 @!p0 $0x100000, s0  }
0x12f: {  	[sflag:s0] =	ssyncadd.tile.s32 @!p0 $0x1;
	_ =	shalt  }
.Lfunc_end2:
_tile_overlayer_lowered:
.L_overlay_start_2:
0x130: {  	(tag) =	ssettag $0x2  }
0x131: {  	s0 =	rddreg [dreg:$0x0];
	s2 =	stileid.u32  }
0x132: {  	s1 =	rddreg [dreg:$0x1];
	p0 =	sne.s32 s2, $0x0  }
0x133: {  	s3 =	rddreg [dreg:$0x2];
	[bflag:$0x3] =	sbarrier.arrive $0xFFFF;
	s2 =	simm.s32 @!p0 $0x1C15  }
0x134: {  	[timem:s3], [sflag:s2] =	dma.local @!p0 [hbm:s0], s1  }
0x135: {  	s0 =	simm.s32 @!p0 $0x15  }
0x136: {  	_ =	swait.ge @!p0 [sflag:s0], s1  }
0x137: {  	s1 =	ssub.s32 @!p0 $0x0, s1;
	[sflag:s0] =	ssyncset.done @!p0 $0x0  }
0x138: {  	[sflag:s0] =	ssyncadd.s32 @!p0 s1  }
0x139: {  	[bflag:$0x3] =	sbarrier.arrive $0xFFFF  }
0x13a: {  	_ =	shalt  }

</sc_bundles>
